<compile_context>
chip_gen: v7x
topology: tpu7x:2x2x1
jax: 0.10.2.dev20260603
libtpu: 0.0.44.dev20260713+nightly
codegen_flags: <defaults>
</compile_context>

<pallas_src>
import functools

import jax
import jax.numpy as jnp
from jax import lax
from jax.experimental import pallas as pl
from jax.experimental.pallas import tpu as pltpu
from jax.experimental.pallas import tpu_sc as plsc

B, E, N = 64, 1024, 128
NC, NS, L = 2, 16, 16
NW = NC * NS
BPW = B // NW
G = 16


def _tc_q_body(p_ref, d_ref, q_ref):
    d = d_ref[...]
    for g in range(G):
        p = p_ref[g]
        m = jnp.dot(p, d, preferred_element_type=jnp.float32)
        q_ref[g] = lax.dot_general(m, p, (((1,), (1,)), ((), ())),
                                   preferred_element_type=jnp.float32)


def _compute_q(P, d_error):
    return pl.pallas_call(
        _tc_q_body,
        grid=(B // G,),
        in_specs=[
            pl.BlockSpec((G, N, N), lambda b: (b, 0, 0)),
            pl.BlockSpec((N, N), lambda b: (0, 0)),
        ],
        out_specs=pl.BlockSpec((G, N, N), lambda b: (b, 0, 0)),
        out_shape=jax.ShapeDtypeStruct((B, N, N), jnp.float32),
    )(P, d_error)


@functools.partial(
    pl.kernel,
    out_type=jax.ShapeDtypeStruct((B, L), jnp.float32),
    mesh=plsc.VectorSubcoreMesh(core_axis_name="c", subcore_axis_name="s",
                                num_cores=NC, num_subcores=NS),
    compiler_params=pltpu.CompilerParams(needs_layout_passes=False),
    scratch_types=[
        pltpu.VMEM((BPW, N, N), jnp.float32),
        pltpu.VMEM((BPW, 2 * E), jnp.int32),
        pltpu.VMEM((BPW, E), jnp.float32),
        pltpu.VMEM((BPW, L), jnp.float32),
        pltpu.SemaphoreType.DMA,
    ],
)
def _sc_edge_reduce(q_hbm, pairs_hbm, w_hbm, out_hbm,
                    q_v, pairs_v, w_v, out_v, sem):
    wid = lax.axis_index("s") * NC + lax.axis_index("c")
    b0 = wid * BPW
    cps = [
        pltpu.async_copy(q_hbm.at[pl.ds(b0, BPW)], q_v, sem),
        pltpu.async_copy(pairs_hbm.at[pl.ds(b0, BPW)], pairs_v, sem),
        pltpu.async_copy(w_hbm.at[pl.ds(b0, BPW)], w_v, sem),
    ]
    for cp in cps:
        cp.wait()
    lanes = lax.iota(jnp.int32, L)
    for local in range(BPW):
        lc = jnp.full((L,), local, jnp.int32)

        def body(k, carry):
            acc0, acc1, ws0, ws1 = carry
            off0 = lanes + k * (2 * L)
            off1 = off0 + L
            iv0 = plsc.load_gather(pairs_v, [lc, off0 * 2])
            jv0 = plsc.load_gather(pairs_v, [lc, off0 * 2 + 1])
            iv1 = plsc.load_gather(pairs_v, [lc, off1 * 2])
            jv1 = plsc.load_gather(pairs_v, [lc, off1 * 2 + 1])
            v0 = plsc.load_gather(q_v, [lc, iv0, jv0])
            v1 = plsc.load_gather(q_v, [lc, iv1, jv1])
            wk0 = plsc.load_gather(w_v, [lc, off0])
            wk1 = plsc.load_gather(w_v, [lc, off1])
            return (acc0 + wk0 * v0, acc1 + wk1 * v1,
                    ws0 + wk0, ws1 + wk1)

        z = jnp.zeros((L,), jnp.float32)
        acc0, acc1, ws0, ws1 = lax.fori_loop(
            0, E // (2 * L), body, (z, z, z, z))
        acc = acc0 + acc1
        wsum = ws0 + ws1
        svec = jnp.full((L,), jnp.sum(acc), jnp.float32)
        wvec = jnp.full((L,), jnp.maximum(jnp.sum(wsum), 1e-8), jnp.float32)
        plsc.store_scatter(out_v, [lc, lanes], svec / wvec)
    pltpu.async_copy(out_v, out_hbm.at[pl.ds(b0, BPW)], sem).wait()


def kernel(P, d_error, circuit_edge_pairs, circuit_edge_weights):
    Q = _compute_q(P, d_error)
    pairs_flat = circuit_edge_pairs.reshape(B, 2 * E)
    per_sample = _sc_edge_reduce(Q, pairs_flat, circuit_edge_weights)
    return jnp.sum(per_sample[:, 0]) / B

# --- scband reference (transcript-rebuilt; emitter-appended) ---
"""Pipeline reference for scband-error-aware-edge-loss-816043786441 (READ-ONLY COPY).

The authoritative reference and input builder live on the scoring server;
editing this copy changes nothing except your own understanding.
"""

import jax, jax.numpy as jnp
import numpy as np

B, E, N = 64, 1024, 128

def setup_inputs(seed: int = 0) -> dict:
    key = jax.random.key(seed)
    k1, k2, k3, k4 = jax.random.split(key, 4)
    P = jax.random.uniform(k1, (B, N, N), dtype=jnp.float32)
    d_error = jax.random.uniform(k2, (N, N), dtype=jnp.float32)
    circuit_edge_pairs = jax.random.randint(k3, (B, E, 2), 0, N, dtype=jnp.int32)
    circuit_edge_weights = jax.random.uniform(k4, (B, E), dtype=jnp.float32)
    return {
        "P": P,
        "d_error": d_error,
        "circuit_edge_pairs": circuit_edge_pairs,
        "circuit_edge_weights": circuit_edge_weights,
    }

def reference(P, d_error, circuit_edge_pairs, circuit_edge_weights):
    # Gather logical-qubit assignment rows for each circuit edge (ragged gather,
    # vectorized over a padded dense edge list).
    i_idx = circuit_edge_pairs[..., 0]  # [B, E]
    j_idx = circuit_edge_pairs[..., 1]  # [B, E]
    Pi = jnp.take_along_axis(P, i_idx[:, :, None], axis=1)  # [B, E, N]
    Pj = jnp.take_along_axis(P, j_idx[:, :, None], axis=1)  # [B, E, N]
    # cost_{b,e} = sum_{p,q} P[b,i,p] * d_error[p,q] * P[b,j,q]
    cost = jnp.einsum('bep,pq,beq->be', Pi, d_error, Pj)  # [B, E]
    w = circuit_edge_weights
    sample_loss = jnp.sum(w * cost, axis=-1)               # [B]
    sample_weight = jnp.maximum(jnp.sum(w, axis=-1), 1e-8) # [B]
    per_sample = sample_loss / sample_weight
    # all B samples have non-empty edge lists -> valid_samples == B
    total = jnp.sum(per_sample) / B
    return total

if __name__ == "__main__":
    import jax
    _d = setup_inputs()
    print(jax.jit(kernel)(*tuple(_d.values())))

</pallas_src>

<mosaic_0001>
#map = affine_map<(d0, d1) -> (0, 0, 0)>
#map1 = affine_map<(d0, d1) -> (0, 0)>
module attributes {stable_mosaic.version = 14 : i64} {
  func.func @_sc_edge_reduce(%arg0: i32, %arg1: i32, %arg2: memref<64x128x128xf32, #tpu.memory_space<hbm>>, %arg3: memref<64x2048xi32, #tpu.memory_space<hbm>>, %arg4: memref<64x1024xf32, #tpu.memory_space<hbm>>, %arg5: memref<64x16xf32, #tpu.memory_space<hbm>>, %arg6: memref<2x128x128xf32, #tpu.memory_space<vmem>>, %arg7: memref<2x2048xi32, #tpu.memory_space<vmem>>, %arg8: memref<2x1024xf32, #tpu.memory_space<vmem>>, %arg9: memref<2x16xf32, #tpu.memory_space<vmem>>, %arg10: memref<!tpu.dma_semaphore, #tpu.memory_space<semaphore_mem>>) attributes {dimension_semantics = [#tpu.dimension_semantics<core_parallel>, #tpu.dimension_semantics<subcore_parallel>], iteration_bounds = array<i64: 2, 16>, scalar_prefetch = 0 : i64, scratch_operands = 5 : i64, tpu.core_type = #tpu.core_type<sc_vector_subcore>, window_params = [{transform_indices = #map}, {transform_indices = #map1}, {transform_indices = #map1}, {transform_indices = #map1}]} {
    %mul3A = arith.constant 2 : i32
    %mul3A_0 = arith.muli %arg1, %mul3A : i32
    %add3A = arith.addi %mul3A_0, %arg0 : i32
    %mul3A_1 = arith.constant 2 : i32
    %mul3A_2 = arith.muli %add3A, %mul3A_1 : i32
    %dma_start3A = arith.constant 0 : i32
    %dma_start3A_3 = arith.constant 0 : i32
    %dma_start3A_4 = tpu.memref_slice %arg2[%mul3A_2, %dma_start3A, %dma_start3A_3] : memref<64x128x128xf32, #tpu.memory_space<hbm>> -> memref<2x128x128xf32, #tpu.memory_space<hbm>>
    %dma_start3A_5 = arith.constant 0 : i32
    %dma_start3A_6 = arith.constant 0 : i32
    %dma_start3A_7 = tpu.memref_slice %arg2[%mul3A_2, %dma_start3A_5, %dma_start3A_6] : memref<64x128x128xf32, #tpu.memory_space<hbm>> -> memref<2x128x128xf32, #tpu.memory_space<hbm>>
    tpu.enqueue_dma source(%dma_start3A_7 : memref<2x128x128xf32, #tpu.memory_space<hbm>>) target(%arg6 : memref<2x128x128xf32, #tpu.memory_space<vmem>>) target_semaphore(%arg10 : memref<!tpu.dma_semaphore, #tpu.memory_space<semaphore_mem>>)
    %dma_start3A_8 = arith.constant 0 : i32
    %dma_start3A_9 = tpu.memref_slice %arg3[%mul3A_2, %dma_start3A_8] : memref<64x2048xi32, #tpu.memory_space<hbm>> -> memref<2x2048xi32, #tpu.memory_space<hbm>>
    %dma_start3A_10 = arith.constant 0 : i32
    %dma_start3A_11 = tpu.memref_slice %arg3[%mul3A_2, %dma_start3A_10] : memref<64x2048xi32, #tpu.memory_space<hbm>> -> memref<2x2048xi32, #tpu.memory_space<hbm>>
    tpu.enqueue_dma source(%dma_start3A_11 : memref<2x2048xi32, #tpu.memory_space<hbm>>) target(%arg7 : memref<2x2048xi32, #tpu.memory_space<vmem>>) target_semaphore(%arg10 : memref<!tpu.dma_semaphore, #tpu.memory_space<semaphore_mem>>)
    %dma_start3A_12 = arith.constant 0 : i32
    %dma_start3A_13 = tpu.memref_slice %arg4[%mul3A_2, %dma_start3A_12] : memref<64x1024xf32, #tpu.memory_space<hbm>> -> memref<2x1024xf32, #tpu.memory_space<hbm>>
    %dma_start3A_14 = arith.constant 0 : i32
    %dma_start3A_15 = tpu.memref_slice %arg4[%mul3A_2, %dma_start3A_14] : memref<64x1024xf32, #tpu.memory_space<hbm>> -> memref<2x1024xf32, #tpu.memory_space<hbm>>
    tpu.enqueue_dma source(%dma_start3A_15 : memref<2x1024xf32, #tpu.memory_space<hbm>>) target(%arg8 : memref<2x1024xf32, #tpu.memory_space<vmem>>) target_semaphore(%arg10 : memref<!tpu.dma_semaphore, #tpu.memory_space<semaphore_mem>>)
    %dma_wait3A = arith.constant 0 : i32
    %dma_wait3A_16 = arith.constant 0 : i32
    %dma_wait3A_17 = tpu.memref_slice %arg2[%mul3A_2, %dma_wait3A, %dma_wait3A_16] : memref<64x128x128xf32, #tpu.memory_space<hbm>> -> memref<2x128x128xf32, #tpu.memory_space<hbm>>
    %dma_wait3A_18 = arith.constant 0 : i32
    %dma_wait3A_19 = arith.constant 0 : i32
    %dma_wait3A_20 = tpu.memref_slice %arg2[%mul3A_2, %dma_wait3A_18, %dma_wait3A_19] : memref<64x128x128xf32, #tpu.memory_space<hbm>> -> memref<2x128x128xf32, #tpu.memory_space<hbm>>
    tpu.wait_dma2 semaphore(%arg10 : memref<!tpu.dma_semaphore, #tpu.memory_space<semaphore_mem>>) src(%dma_wait3A_20 : memref<2x128x128xf32, #tpu.memory_space<hbm>>) dst(%arg6 : memref<2x128x128xf32, #tpu.memory_space<vmem>>)
    %dma_wait3A_21 = arith.constant 0 : i32
    %dma_wait3A_22 = tpu.memref_slice %arg3[%mul3A_2, %dma_wait3A_21] : memref<64x2048xi32, #tpu.memory_space<hbm>> -> memref<2x2048xi32, #tpu.memory_space<hbm>>
    %dma_wait3A_23 = arith.constant 0 : i32
    %dma_wait3A_24 = tpu.memref_slice %arg3[%mul3A_2, %dma_wait3A_23] : memref<64x2048xi32, #tpu.memory_space<hbm>> -> memref<2x2048xi32, #tpu.memory_space<hbm>>
    tpu.wait_dma2 semaphore(%arg10 : memref<!tpu.dma_semaphore, #tpu.memory_space<semaphore_mem>>) src(%dma_wait3A_24 : memref<2x2048xi32, #tpu.memory_space<hbm>>) dst(%arg7 : memref<2x2048xi32, #tpu.memory_space<vmem>>)
    %dma_wait3A_25 = arith.constant 0 : i32
    %dma_wait3A_26 = tpu.memref_slice %arg4[%mul3A_2, %dma_wait3A_25] : memref<64x1024xf32, #tpu.memory_space<hbm>> -> memref<2x1024xf32, #tpu.memory_space<hbm>>
    %dma_wait3A_27 = arith.constant 0 : i32
    %dma_wait3A_28 = tpu.memref_slice %arg4[%mul3A_2, %dma_wait3A_27] : memref<64x1024xf32, #tpu.memory_space<hbm>> -> memref<2x1024xf32, #tpu.memory_space<hbm>>
    tpu.wait_dma2 semaphore(%arg10 : memref<!tpu.dma_semaphore, #tpu.memory_space<semaphore_mem>>) src(%dma_wait3A_28 : memref<2x1024xf32, #tpu.memory_space<hbm>>) dst(%arg8 : memref<2x1024xf32, #tpu.memory_space<vmem>>)
    %iota3A = tpu.iota {dimensions = array<i32: 0>} : vector<16xi32>
    %broadcast_in_dim3A = arith.constant 0 : i32
    %broadcast_in_dim3A_29 = vector.broadcast %broadcast_in_dim3A : i32 to vector<16xi32>
    %broadcast_in_dim3A_30 = arith.constant 0.000000e+00 : f32
    %broadcast_in_dim3A_31 = vector.broadcast %broadcast_in_dim3A_30 : f32 to vector<16xf32>
    %scan3A = arith.constant 0 : i32
    %scan3A_32 = arith.constant 32 : i32
    %scan3A_33 = arith.addi %scan3A, %scan3A_32 : i32
    %scan3A_34 = arith.constant 1 : i32
    %scan3A_35:4 = scf.for %scan3A_82 = %scan3A to %scan3A_33 step %scan3A_34 iter_args(%scan3A_83 = %broadcast_in_dim3A_31, %scan3A_84 = %broadcast_in_dim3A_31, %scan3A_85 = %broadcast_in_dim3A_31, %scan3A_86 = %broadcast_in_dim3A_31) -> (vector<16xf32>, vector<16xf32>, vector<16xf32>, vector<16xf32>)  : i32 {
      %mul3A_87 = arith.constant 32 : i32
      %mul3A_88 = arith.muli %scan3A_82, %mul3A_87 : i32
      %add3A_89 = vector.broadcast %mul3A_88 : i32 to vector<16xi32>
      %add3A_90 = arith.addi %iota3A, %add3A_89 : vector<16xi32>
      %add3A_91 = arith.constant 16 : i32
      %add3A_92 = vector.broadcast %add3A_91 : i32 to vector<16xi32>
      %add3A_93 = arith.addi %add3A_90, %add3A_92 : vector<16xi32>
      %mul3A_94 = arith.constant 2 : i32
      %mul3A_95 = vector.broadcast %mul3A_94 : i32 to vector<16xi32>
      %mul3A_96 = arith.muli %add3A_90, %mul3A_95 : vector<16xi32>
      %gather3A = tpu.vector_load_idx %arg7[%broadcast_in_dim3A_29, %mul3A_96] : memref<2x2048xi32, #tpu.memory_space<vmem>>[vector<16xi32>, vector<16xi32>], vector<16xi32>,
      %mul3A_97 = arith.constant 2 : i32
      %mul3A_98 = vector.broadcast %mul3A_97 : i32 to vector<16xi32>
      %mul3A_99 = arith.muli %add3A_90, %mul3A_98 : vector<16xi32>
      %add3A_100 = arith.constant 1 : i32
      %add3A_101 = vector.broadcast %add3A_100 : i32 to vector<16xi32>
      %add3A_102 = arith.addi %mul3A_99, %add3A_101 : vector<16xi32>
      %gather3A_103 = tpu.vector_load_idx %arg7[%broadcast_in_dim3A_29, %add3A_102] : memref<2x2048xi32, #tpu.memory_space<vmem>>[vector<16xi32>, vector<16xi32>], vector<16xi32>,
      %mul3A_104 = arith.constant 2 : i32
      %mul3A_105 = vector.broadcast %mul3A_104 : i32 to vector<16xi32>
      %mul3A_106 = arith.muli %add3A_93, %mul3A_105 : vector<16xi32>
      %gather3A_107 = tpu.vector_load_idx %arg7[%broadcast_in_dim3A_29, %mul3A_106] : memref<2x2048xi32, #tpu.memory_space<vmem>>[vector<16xi32>, vector<16xi32>], vector<16xi32>,
      %mul3A_108 = arith.constant 2 : i32
      %mul3A_109 = vector.broadcast %mul3A_108 : i32 to vector<16xi32>
      %mul3A_110 = arith.muli %add3A_93, %mul3A_109 : vector<16xi32>
      %add3A_111 = arith.constant 1 : i32
      %add3A_112 = vector.broadcast %add3A_111 : i32 to vector<16xi32>
      %add3A_113 = arith.addi %mul3A_110, %add3A_112 : vector<16xi32>
      %gather3A_114 = tpu.vector_load_idx %arg7[%broadcast_in_dim3A_29, %add3A_113] : memref<2x2048xi32, #tpu.memory_space<vmem>>[vector<16xi32>, vector<16xi32>], vector<16xi32>,
      %gather3A_115 = tpu.vector_load_idx %arg6[%broadcast_in_dim3A_29, %gather3A, %gather3A_103] : memref<2x128x128xf32, #tpu.memory_space<vmem>>[vector<16xi32>, vector<16xi32>, vector<16xi32>], vector<16xf32>,
      %gather3A_116 = tpu.vector_load_idx %arg6[%broadcast_in_dim3A_29, %gather3A_107, %gather3A_114] : memref<2x128x128xf32, #tpu.memory_space<vmem>>[vector<16xi32>, vector<16xi32>, vector<16xi32>], vector<16xf32>,
      %gather3A_117 = tpu.vector_load_idx %arg8[%broadcast_in_dim3A_29, %add3A_90] : memref<2x1024xf32, #tpu.memory_space<vmem>>[vector<16xi32>, vector<16xi32>], vector<16xf32>,
      %gather3A_118 = tpu.vector_load_idx %arg8[%broadcast_in_dim3A_29, %add3A_93] : memref<2x1024xf32, #tpu.memory_space<vmem>>[vector<16xi32>, vector<16xi32>], vector<16xf32>,
      %mul3A_119 = arith.mulf %gather3A_117, %gather3A_115 : vector<16xf32>
      %add3A_120 = arith.addf %scan3A_83, %mul3A_119 : vector<16xf32>
      %mul3A_121 = arith.mulf %gather3A_118, %gather3A_116 : vector<16xf32>
      %add3A_122 = arith.addf %scan3A_84, %mul3A_121 : vector<16xf32>
      %add3A_123 = arith.addf %scan3A_85, %gather3A_117 : vector<16xf32>
      %add3A_124 = arith.addf %scan3A_86, %gather3A_118 : vector<16xf32>
      scf.yield %add3A_120, %add3A_122, %add3A_123, %add3A_124 : vector<16xf32>, vector<16xf32>, vector<16xf32>, vector<16xf32>
    }
    %scan3A_36 = arith.constant 32 : i32
    %add3A_37 = arith.addf %scan3A_35#0, %scan3A_35#1 : vector<16xf32>
    %add3A_38 = arith.addf %scan3A_35#2, %scan3A_35#3 : vector<16xf32>
    %reduce_sum3A = arith.constant true
    %reduce_sum3A_39 = vector.broadcast %reduce_sum3A : i1 to vector<16xi1>
    %reduce_sum3A_40 = tpu.scan <sum>, %add3A_37 masked %reduce_sum3A_39 : vector<16xf32>, vector<16xi1> -> vector<16xf32>
    %reduce_sum3A_41 = vector.extract %reduce_sum3A_40[15] : f32 from vector<16xf32>
    %broadcast_in_dim3A_42 = vector.broadcast %reduce_sum3A_41 : f32 to vector<16xf32>
    %reduce_sum3A_43 = arith.constant true
    %reduce_sum3A_44 = vector.broadcast %reduce_sum3A_43 : i1 to vector<16xi1>
    %reduce_sum3A_45 = tpu.scan <sum>, %add3A_38 masked %reduce_sum3A_44 : vector<16xf32>, vector<16xi1> -> vector<16xf32>
    %reduce_sum3A_46 = vector.extract %reduce_sum3A_45[15] : f32 from vector<16xf32>
    %max3A = arith.constant 9.99999993E-9 : f32
    %max3A_47 = arith.maximumf %reduce_sum3A_46, %max3A : f32
    %broadcast_in_dim3A_48 = vector.broadcast %max3A_47 : f32 to vector<16xf32>
    %div3A = arith.divf %broadcast_in_dim3A_42, %broadcast_in_dim3A_48 : vector<16xf32>
    tpu.vector_store_idx %arg9[%broadcast_in_dim3A_29, %iota3A], %div3A : memref<2x16xf32, #tpu.memory_space<vmem>>[vector<16xi32>, vector<16xi32>], vector<16xf32>,
    %broadcast_in_dim3A_49 = arith.constant 1 : i32
    %broadcast_in_dim3A_50 = vector.broadcast %broadcast_in_dim3A_49 : i32 to vector<16xi32>
    %broadcast_in_dim3A_51 = arith.constant 0.000000e+00 : f32
    %broadcast_in_dim3A_52 = vector.broadcast %broadcast_in_dim3A_51 : f32 to vector<16xf32>
    %scan3A_53 = arith.constant 0 : i32
    %scan3A_54 = arith.constant 32 : i32
    %scan3A_55 = arith.addi %scan3A_53, %scan3A_54 : i32
    %scan3A_56 = arith.constant 1 : i32
    %scan3A_57:4 = scf.for %scan3A_82 = %scan3A_53 to %scan3A_55 step %scan3A_56 iter_args(%scan3A_83 = %broadcast_in_dim3A_52, %scan3A_84 = %broadcast_in_dim3A_52, %scan3A_85 = %broadcast_in_dim3A_52, %scan3A_86 = %broadcast_in_dim3A_52) -> (vector<16xf32>, vector<16xf32>, vector<16xf32>, vector<16xf32>)  : i32 {
      %mul3A_87 = arith.constant 32 : i32
      %mul3A_88 = arith.muli %scan3A_82, %mul3A_87 : i32
      %add3A_89 = vector.broadcast %mul3A_88 : i32 to vector<16xi32>
      %add3A_90 = arith.addi %iota3A, %add3A_89 : vector<16xi32>
      %add3A_91 = arith.constant 16 : i32
      %add3A_92 = vector.broadcast %add3A_91 : i32 to vector<16xi32>
      %add3A_93 = arith.addi %add3A_90, %add3A_92 : vector<16xi32>
      %mul3A_94 = arith.constant 2 : i32
      %mul3A_95 = vector.broadcast %mul3A_94 : i32 to vector<16xi32>
      %mul3A_96 = arith.muli %add3A_90, %mul3A_95 : vector<16xi32>
      %gather3A = tpu.vector_load_idx %arg7[%broadcast_in_dim3A_50, %mul3A_96] : memref<2x2048xi32, #tpu.memory_space<vmem>>[vector<16xi32>, vector<16xi32>], vector<16xi32>,
      %mul3A_97 = arith.constant 2 : i32
      %mul3A_98 = vector.broadcast %mul3A_97 : i32 to vector<16xi32>
      %mul3A_99 = arith.muli %add3A_90, %mul3A_98 : vector<16xi32>
      %add3A_100 = arith.constant 1 : i32
      %add3A_101 = vector.broadcast %add3A_100 : i32 to vector<16xi32>
      %add3A_102 = arith.addi %mul3A_99, %add3A_101 : vector<16xi32>
      %gather3A_103 = tpu.vector_load_idx %arg7[%broadcast_in_dim3A_50, %add3A_102] : memref<2x2048xi32, #tpu.memory_space<vmem>>[vector<16xi32>, vector<16xi32>], vector<16xi32>,
      %mul3A_104 = arith.constant 2 : i32
      %mul3A_105 = vector.broadcast %mul3A_104 : i32 to vector<16xi32>
      %mul3A_106 = arith.muli %add3A_93, %mul3A_105 : vector<16xi32>
      %gather3A_107 = tpu.vector_load_idx %arg7[%broadcast_in_dim3A_50, %mul3A_106] : memref<2x2048xi32, #tpu.memory_space<vmem>>[vector<16xi32>, vector<16xi32>], vector<16xi32>,
      %mul3A_108 = arith.constant 2 : i32
      %mul3A_109 = vector.broadcast %mul3A_108 : i32 to vector<16xi32>
      %mul3A_110 = arith.muli %add3A_93, %mul3A_109 : vector<16xi32>
      %add3A_111 = arith.constant 1 : i32
      %add3A_112 = vector.broadcast %add3A_111 : i32 to vector<16xi32>
      %add3A_113 = arith.addi %mul3A_110, %add3A_112 : vector<16xi32>
      %gather3A_114 = tpu.vector_load_idx %arg7[%broadcast_in_dim3A_50, %add3A_113] : memref<2x2048xi32, #tpu.memory_space<vmem>>[vector<16xi32>, vector<16xi32>], vector<16xi32>,
      %gather3A_115 = tpu.vector_load_idx %arg6[%broadcast_in_dim3A_50, %gather3A, %gather3A_103] : memref<2x128x128xf32, #tpu.memory_space<vmem>>[vector<16xi32>, vector<16xi32>, vector<16xi32>], vector<16xf32>,
      %gather3A_116 = tpu.vector_load_idx %arg6[%broadcast_in_dim3A_50, %gather3A_107, %gather3A_114] : memref<2x128x128xf32, #tpu.memory_space<vmem>>[vector<16xi32>, vector<16xi32>, vector<16xi32>], vector<16xf32>,
      %gather3A_117 = tpu.vector_load_idx %arg8[%broadcast_in_dim3A_50, %add3A_90] : memref<2x1024xf32, #tpu.memory_space<vmem>>[vector<16xi32>, vector<16xi32>], vector<16xf32>,
      %gather3A_118 = tpu.vector_load_idx %arg8[%broadcast_in_dim3A_50, %add3A_93] : memref<2x1024xf32, #tpu.memory_space<vmem>>[vector<16xi32>, vector<16xi32>], vector<16xf32>,
      %mul3A_119 = arith.mulf %gather3A_117, %gather3A_115 : vector<16xf32>
      %add3A_120 = arith.addf %scan3A_83, %mul3A_119 : vector<16xf32>
      %mul3A_121 = arith.mulf %gather3A_118, %gather3A_116 : vector<16xf32>
      %add3A_122 = arith.addf %scan3A_84, %mul3A_121 : vector<16xf32>
      %add3A_123 = arith.addf %scan3A_85, %gather3A_117 : vector<16xf32>
      %add3A_124 = arith.addf %scan3A_86, %gather3A_118 : vector<16xf32>
      scf.yield %add3A_120, %add3A_122, %add3A_123, %add3A_124 : vector<16xf32>, vector<16xf32>, vector<16xf32>, vector<16xf32>
    }
    %scan3A_58 = arith.constant 32 : i32
    %add3A_59 = arith.addf %scan3A_57#0, %scan3A_57#1 : vector<16xf32>
    %add3A_60 = arith.addf %scan3A_57#2, %scan3A_57#3 : vector<16xf32>
    %reduce_sum3A_61 = arith.constant true
    %reduce_sum3A_62 = vector.broadcast %reduce_sum3A_61 : i1 to vector<16xi1>
    %reduce_sum3A_63 = tpu.scan <sum>, %add3A_59 masked %reduce_sum3A_62 : vector<16xf32>, vector<16xi1> -> vector<16xf32>
    %reduce_sum3A_64 = vector.extract %reduce_sum3A_63[15] : f32 from vector<16xf32>
    %broadcast_in_dim3A_65 = vector.broadcast %reduce_sum3A_64 : f32 to vector<16xf32>
    %reduce_sum3A_66 = arith.constant true
    %reduce_sum3A_67 = vector.broadcast %reduce_sum3A_66 : i1 to vector<16xi1>
    %reduce_sum3A_68 = tpu.scan <sum>, %add3A_60 masked %reduce_sum3A_67 : vector<16xf32>, vector<16xi1> -> vector<16xf32>
    %reduce_sum3A_69 = vector.extract %reduce_sum3A_68[15] : f32 from vector<16xf32>
    %max3A_70 = arith.constant 9.99999993E-9 : f32
    %max3A_71 = arith.maximumf %reduce_sum3A_69, %max3A_70 : f32
    %broadcast_in_dim3A_72 = vector.broadcast %max3A_71 : f32 to vector<16xf32>
    %div3A_73 = arith.divf %broadcast_in_dim3A_65, %broadcast_in_dim3A_72 : vector<16xf32>
    tpu.vector_store_idx %arg9[%broadcast_in_dim3A_50, %iota3A], %div3A_73 : memref<2x16xf32, #tpu.memory_space<vmem>>[vector<16xi32>, vector<16xi32>], vector<16xf32>,
    %dma_start3A_74 = arith.constant 0 : i32
    %dma_start3A_75 = tpu.memref_slice %arg5[%mul3A_2, %dma_start3A_74] : memref<64x16xf32, #tpu.memory_space<hbm>> -> memref<2x16xf32, #tpu.memory_space<hbm>>
    %dma_start3A_76 = arith.constant 0 : i32
    %dma_start3A_77 = tpu.memref_slice %arg5[%mul3A_2, %dma_start3A_76] : memref<64x16xf32, #tpu.memory_space<hbm>> -> memref<2x16xf32, #tpu.memory_space<hbm>>
    tpu.enqueue_dma source(%arg9 : memref<2x16xf32, #tpu.memory_space<vmem>>) target(%dma_start3A_77 : memref<2x16xf32, #tpu.memory_space<hbm>>) target_semaphore(%arg10 : memref<!tpu.dma_semaphore, #tpu.memory_space<semaphore_mem>>)
    %dma_wait3A_78 = arith.constant 0 : i32
    %dma_wait3A_79 = tpu.memref_slice %arg5[%mul3A_2, %dma_wait3A_78] : memref<64x16xf32, #tpu.memory_space<hbm>> -> memref<2x16xf32, #tpu.memory_space<hbm>>
    %dma_wait3A_80 = arith.constant 0 : i32
    %dma_wait3A_81 = tpu.memref_slice %arg5[%mul3A_2, %dma_wait3A_80] : memref<64x16xf32, #tpu.memory_space<hbm>> -> memref<2x16xf32, #tpu.memory_space<hbm>>
    tpu.wait_dma2 semaphore(%arg10 : memref<!tpu.dma_semaphore, #tpu.memory_space<semaphore_mem>>) src(%arg9 : memref<2x16xf32, #tpu.memory_space<vmem>>) dst(%dma_wait3A_81 : memref<2x16xf32, #tpu.memory_space<hbm>>)
    return
  }
}

module attributes {stable_mosaic.version = 14 : i64} {
  func.func @_tc_q_body(%arg0: i32, %arg1: memref<16x128x128xf32, #tpu.memory_space<vmem>>, %arg2: memref<128x128xf32, #tpu.memory_space<vmem>>, %arg3: memref<16x128x128xf32, #tpu.memory_space<vmem>>) attributes {dimension_semantics = [#tpu.dimension_semantics<arbitrary>], iteration_bounds = array<i64: 4>, scalar_prefetch = 0 : i64, scratch_operands = 0 : i64, tpu.core_type = #tpu.core_type<tc>, window_params = [{transform_indices = @transform_0, window_bounds = array<i64: 16, 128, 128>}, {pipeline_mode = #tpu.pipeline_mode<synchronous>, transform_indices = @transform_1, window_bounds = array<i64: 128, 128>}, {transform_indices = @transform_2, window_bounds = array<i64: 16, 128, 128>}]} {
    %get3A = arith.constant 0 : index
    %get3A_0 = arith.constant 0 : index
    %get3A_1 = vector.load %arg2[%get3A, %get3A_0] : memref<128x128xf32, #tpu.memory_space<vmem>>, vector<128x128xf32>
    %get3A_2 = arith.constant 0 : index
    %get3A_3 = arith.constant 0 : index
    %get3A_4 = arith.constant 0 : index
    %get3A_5 = vector.load %arg1[%get3A_2, %get3A_3, %get3A_4] : memref<16x128x128xf32, #tpu.memory_space<vmem>>, vector<1x128x128xf32>
    %get3A_6 = vector.shape_cast %get3A_5 : vector<1x128x128xf32> to vector<128x128xf32>
    %dot_general3A = arith.constant dense<0.000000e+00> : vector<128x128xf32>
    %dot_general3A_7 = tpu.matmul %get3A_6, %get3A_1, %dot_general3A {dimension_numbers = #tpu.dot_dimension_numbers<[1], [0], [0], [1], [0, 0, 1, 1], [], []>, transpose_lhs_hint = false} : vector<128x128xf32>, vector<128x128xf32>, vector<128x128xf32> -> vector<128x128xf32>
    %dot_general3A_8 = arith.constant dense<0.000000e+00> : vector<128x128xf32>
    %dot_general3A_9 = tpu.matmul %dot_general3A_7, %get3A_6, %dot_general3A_8 {dimension_numbers = #tpu.dot_dimension_numbers<[1], [1], [0], [0], [0, 0, 1, 0], [], []>, transpose_lhs_hint = false} : vector<128x128xf32>, vector<128x128xf32>, vector<128x128xf32> -> vector<128x128xf32>
    %swap3A = arith.constant 0 : index
    %swap3A_10 = arith.constant 0 : index
    %swap3A_11 = arith.constant 0 : index
    %swap3A_12 = vector.load %arg3[%swap3A, %swap3A_10, %swap3A_11] : memref<16x128x128xf32, #tpu.memory_space<vmem>>, vector<1x128x128xf32>
    %swap3A_13 = vector.shape_cast %swap3A_12 : vector<1x128x128xf32> to vector<128x128xf32>
    %swap3A_14 = vector.shape_cast %dot_general3A_9 : vector<128x128xf32> to vector<1x128x128xf32>
    tpu.vector_store %arg3[%swap3A, %swap3A_10, %swap3A_11], %swap3A_14 {strides = array<i32>} : memref<16x128x128xf32, #tpu.memory_space<vmem>>, vector<1x128x128xf32>,
    %get3A_15 = arith.constant 1 : index
    %get3A_16 = arith.constant 0 : index
    %get3A_17 = arith.constant 0 : index
    %get3A_18 = vector.load %arg1[%get3A_15, %get3A_16, %get3A_17] : memref<16x128x128xf32, #tpu.memory_space<vmem>>, vector<1x128x128xf32>
    %get3A_19 = vector.shape_cast %get3A_18 : vector<1x128x128xf32> to vector<128x128xf32>
    %dot_general3A_20 = arith.constant dense<0.000000e+00> : vector<128x128xf32>
    %dot_general3A_21 = tpu.matmul %get3A_19, %get3A_1, %dot_general3A_20 {dimension_numbers = #tpu.dot_dimension_numbers<[1], [0], [0], [1], [0, 0, 1, 1], [], []>, transpose_lhs_hint = false} : vector<128x128xf32>, vector<128x128xf32>, vector<128x128xf32> -> vector<128x128xf32>
    %dot_general3A_22 = arith.constant dense<0.000000e+00> : vector<128x128xf32>
    %dot_general3A_23 = tpu.matmul %dot_general3A_21, %get3A_19, %dot_general3A_22 {dimension_numbers = #tpu.dot_dimension_numbers<[1], [1], [0], [0], [0, 0, 1, 0], [], []>, transpose_lhs_hint = false} : vector<128x128xf32>, vector<128x128xf32>, vector<128x128xf32> -> vector<128x128xf32>
    %swap3A_24 = arith.constant 1 : index
    %swap3A_25 = arith.constant 0 : index
    %swap3A_26 = arith.constant 0 : index
    %swap3A_27 = vector.load %arg3[%swap3A_24, %swap3A_25, %swap3A_26] : memref<16x128x128xf32, #tpu.memory_space<vmem>>, vector<1x128x128xf32>
    %swap3A_28 = vector.shape_cast %swap3A_27 : vector<1x128x128xf32> to vector<128x128xf32>
    %swap3A_29 = vector.shape_cast %dot_general3A_23 : vector<128x128xf32> to vector<1x128x128xf32>
    tpu.vector_store %arg3[%swap3A_24, %swap3A_25, %swap3A_26], %swap3A_29 {strides = array<i32>} : memref<16x128x128xf32, #tpu.memory_space<vmem>>, vector<1x128x128xf32>,
    %get3A_30 = arith.constant 2 : index
    %get3A_31 = arith.constant 0 : index
    %get3A_32 = arith.constant 0 : index
    %get3A_33 = vector.load %arg1[%get3A_30, %get3A_31, %get3A_32] : memref<16x128x128xf32, #tpu.memory_space<vmem>>, vector<1x128x128xf32>
    %get3A_34 = vector.shape_cast %get3A_33 : vector<1x128x128xf32> to vector<128x128xf32>
    %dot_general3A_35 = arith.constant dense<0.000000e+00> : vector<128x128xf32>
    %dot_general3A_36 = tpu.matmul %get3A_34, %get3A_1, %dot_general3A_35 {dimension_numbers = #tpu.dot_dimension_numbers<[1], [0], [0], [1], [0, 0, 1, 1], [], []>, transpose_lhs_hint = false} : vector<128x128xf32>, vector<128x128xf32>, vector<128x128xf32> -> vector<128x128xf32>
    %dot_general3A_37 = arith.constant dense<0.000000e+00> : vector<128x128xf32>
    %dot_general3A_38 = tpu.matmul %dot_general3A_36, %get3A_34, %dot_general3A_37 {dimension_numbers = #tpu.dot_dimension_numbers<[1], [1], [0], [0], [0, 0, 1, 0], [], []>, transpose_lhs_hint = false} : vector<128x128xf32>, vector<128x128xf32>, vector<128x128xf32> -> vector<128x128xf32>
    %swap3A_39 = arith.constant 2 : index
    %swap3A_40 = arith.constant 0 : index
    %swap3A_41 = arith.constant 0 : index
    %swap3A_42 = vector.load %arg3[%swap3A_39, %swap3A_40, %swap3A_41] : memref<16x128x128xf32, #tpu.memory_space<vmem>>, vector<1x128x128xf32>
    %swap3A_43 = vector.shape_cast %swap3A_42 : vector<1x128x128xf32> to vector<128x128xf32>
    %swap3A_44 = vector.shape_cast %dot_general3A_38 : vector<128x128xf32> to vector<1x128x128xf32>
    tpu.vector_store %arg3[%swap3A_39, %swap3A_40, %swap3A_41], %swap3A_44 {strides = array<i32>} : memref<16x128x128xf32, #tpu.memory_space<vmem>>, vector<1x128x128xf32>,
    %get3A_45 = arith.constant 3 : index
    %get3A_46 = arith.constant 0 : index
    %get3A_47 = arith.constant 0 : index
    %get3A_48 = vector.load %arg1[%get3A_45, %get3A_46, %get3A_47] : memref<16x128x128xf32, #tpu.memory_space<vmem>>, vector<1x128x128xf32>
    %get3A_49 = vector.shape_cast %get3A_48 : vector<1x128x128xf32> to vector<128x128xf32>
    %dot_general3A_50 = arith.constant dense<0.000000e+00> : vector<128x128xf32>
    %dot_general3A_51 = tpu.matmul %get3A_49, %get3A_1, %dot_general3A_50 {dimension_numbers = #tpu.dot_dimension_numbers<[1], [0], [0], [1], [0, 0, 1, 1], [], []>, transpose_lhs_hint = false} : vector<128x128xf32>, vector<128x128xf32>, vector<128x128xf32> -> vector<128x128xf32>
    %dot_general3A_52 = arith.constant dense<0.000000e+00> : vector<128x128xf32>
    %dot_general3A_53 = tpu.matmul %dot_general3A_51, %get3A_49, %dot_general3A_52 {dimension_numbers = #tpu.dot_dimension_numbers<[1], [1], [0], [0], [0, 0, 1, 0], [], []>, transpose_lhs_hint = false} : vector<128x128xf32>, vector<128x128xf32>, vector<128x128xf32> -> vector<128x128xf32>
    %swap3A_54 = arith.constant 3 : index
    %swap3A_55 = arith.constant 0 : index
    %swap3A_56 = arith.constant 0 : index
    %swap3A_57 = vector.load %arg3[%swap3A_54, %swap3A_55, %swap3A_56] : memref<16x128x128xf32, #tpu.memory_space<vmem>>, vector<1x128x128xf32>
    %swap3A_58 = vector.shape_cast %swap3A_57 : vector<1x128x128xf32> to vector<128x128xf32>
    %swap3A_59 = vector.shape_cast %dot_general3A_53 : vector<128x128xf32> to vector<1x128x128xf32>
    tpu.vector_store %arg3[%swap3A_54, %swap3A_55, %swap3A_56], %swap3A_59 {strides = array<i32>} : memref<16x128x128xf32, #tpu.memory_space<vmem>>, vector<1x128x128xf32>,
    %get3A_60 = arith.constant 4 : index
    %get3A_61 = arith.constant 0 : index
    %get3A_62 = arith.constant 0 : index
    %get3A_63 = vector.load %arg1[%get3A_60, %get3A_61, %get3A_62] : memref<16x128x128xf32, #tpu.memory_space<vmem>>, vector<1x128x128xf32>
    %get3A_64 = vector.shape_cast %get3A_63 : vector<1x128x128xf32> to vector<128x128xf32>
    %dot_general3A_65 = arith.constant dense<0.000000e+00> : vector<128x128xf32>
    %dot_general3A_66 = tpu.matmul %get3A_64, %get3A_1, %dot_general3A_65 {dimension_numbers = #tpu.dot_dimension_numbers<[1], [0], [0], [1], [0, 0, 1, 1], [], []>, transpose_lhs_hint = false} : vector<128x128xf32>, vector<128x128xf32>, vector<128x128xf32> -> vector<128x128xf32>
    %dot_general3A_67 = arith.constant dense<0.000000e+00> : vector<128x128xf32>
    %dot_general3A_68 = tpu.matmul %dot_general3A_66, %get3A_64, %dot_general3A_67 {dimension_numbers = #tpu.dot_dimension_numbers<[1], [1], [0], [0], [0, 0, 1, 0], [], []>, transpose_lhs_hint = false} : vector<128x128xf32>, vector<128x128xf32>, vector<128x128xf32> -> vector<128x128xf32>
    %swap3A_69 = arith.constant 4 : index
    %swap3A_70 = arith.constant 0 : index
    %swap3A_71 = arith.constant 0 : index
    %swap3A_72 = vector.load %arg3[%swap3A_69, %swap3A_70, %swap3A_71] : memref<16x128x128xf32, #tpu.memory_space<vmem>>, vector<1x128x128xf32>
    %swap3A_73 = vector.shape_cast %swap3A_72 : vector<1x128x128xf32> to vector<128x128xf32>
    %swap3A_74 = vector.shape_cast %dot_general3A_68 : vector<128x128xf32> to vector<1x128x128xf32>
    tpu.vector_store %arg3[%swap3A_69, %swap3A_70, %swap3A_71], %swap3A_74 {strides = array<i32>} : memref<16x128x128xf32, #tpu.memory_space<vmem>>, vector<1x128x128xf32>,
    %get3A_75 = arith.constant 5 : index
    %get3A_76 = arith.constant 0 : index
    %get3A_77 = arith.constant 0 : index
    %get3A_78 = vector.load %arg1[%get3A_75, %get3A_76, %get3A_77] : memref<16x128x128xf32, #tpu.memory_space<vmem>>, vector<1x128x128xf32>
    %get3A_79 = vector.shape_cast %get3A_78 : vector<1x128x128xf32> to vector<128x128xf32>
    %dot_general3A_80 = arith.constant dense<0.000000e+00> : vector<128x128xf32>
    %dot_general3A_81 = tpu.matmul %get3A_79, %get3A_1, %dot_general3A_80 {dimension_numbers = #tpu.dot_dimension_numbers<[1], [0], [0], [1], [0, 0, 1, 1], [], []>, transpose_lhs_hint = false} : vector<128x128xf32>, vector<128x128xf32>, vector<128x128xf32> -> vector<128x128xf32>
    %dot_general3A_82 = arith.constant dense<0.000000e+00> : vector<128x128xf32>
    %dot_general3A_83 = tpu.matmul %dot_general3A_81, %get3A_79, %dot_general3A_82 {dimension_numbers = #tpu.dot_dimension_numbers<[1], [1], [0], [0], [0, 0, 1, 0], [], []>, transpose_lhs_hint = false} : vector<128x128xf32>, vector<128x128xf32>, vector<128x128xf32> -> vector<128x128xf32>
    %swap3A_84 = arith.constant 5 : index
    %swap3A_85 = arith.constant 0 : index
    %swap3A_86 = arith.constant 0 : index
    %swap3A_87 = vector.load %arg3[%swap3A_84, %swap3A_85, %swap3A_86] : memref<16x128x128xf32, #tpu.memory_space<vmem>>, vector<1x128x128xf32>
    %swap3A_88 = vector.shape_cast %swap3A_87 : vector<1x128x128xf32> to vector<128x128xf32>
    %swap3A_89 = vector.shape_cast %dot_general3A_83 : vector<128x128xf32> to vector<1x128x128xf32>
    tpu.vector_store %arg3[%swap3A_84, %swap3A_85, %swap3A_86], %swap3A_89 {strides = array<i32>} : memref<16x128x128xf32, #tpu.memory_space<vmem>>, vector<1x128x128xf32>,
    %get3A_90 = arith.constant 6 : index
    %get3A_91 = arith.constant 0 : index
    %get3A_92 = arith.constant 0 : index
    %get3A_93 = vector.load %arg1[%get3A_90, %get3A_91, %get3A_92] : memref<16x128x128xf32, #tpu.memory_space<vmem>>, vector<1x128x128xf32>
    %get3A_94 = vector.shape_cast %get3A_93 : vector<1x128x128xf32> to vector<128x128xf32>
    %dot_general3A_95 = arith.constant dense<0.000000e+00> : vector<128x128xf32>
    %dot_general3A_96 = tpu.matmul %get3A_94, %get3A_1, %dot_general3A_95 {dimension_numbers = #tpu.dot_dimension_numbers<[1], [0], [0], [1], [0, 0, 1, 1], [], []>, transpose_lhs_hint = false} : vector<128x128xf32>, vector<128x128xf32>, vector<128x128xf32> -> vector<128x128xf32>
    %dot_general3A_97 = arith.constant dense<0.000000e+00> : vector<128x128xf32>
    %dot_general3A_98 = tpu.matmul %dot_general3A_96, %get3A_94, %dot_general3A_97 {dimension_numbers = #tpu.dot_dimension_numbers<[1], [1], [0], [0], [0, 0, 1, 0], [], []>, transpose_lhs_hint = false} : vector<128x128xf32>, vector<128x128xf32>, vector<128x128xf32> -> vector<128x128xf32>
    %swap3A_99 = arith.constant 6 : index
    %swap3A_100 = arith.constant 0 : index
    %swap3A_101 = arith.constant 0 : index
    %swap3A_102 = vector.load %arg3[%swap3A_99, %swap3A_100, %swap3A_101] : memref<16x128x128xf32, #tpu.memory_space<vmem>>, vector<1x128x128xf32>
    %swap3A_103 = vector.shape_cast %swap3A_102 : vector<1x128x128xf32> to vector<128x128xf32>
    %swap3A_104 = vector.shape_cast %dot_general3A_98 : vector<128x128xf32> to vector<1x128x128xf32>
    tpu.vector_store %arg3[%swap3A_99, %swap3A_100, %swap3A_101], %swap3A_104 {strides = array<i32>} : memref<16x128x128xf32, #tpu.memory_space<vmem>>, vector<1x128x128xf32>,
    %get3A_105 = arith.constant 7 : index
    %get3A_106 = arith.constant 0 : index
    %get3A_107 = arith.constant 0 : index
    %get3A_108 = vector.load %arg1[%get3A_105, %get3A_106, %get3A_107] : memref<16x128x128xf32, #tpu.memory_space<vmem>>, vector<1x128x128xf32>
    %get3A_109 = vector.shape_cast %get3A_108 : vector<1x128x128xf32> to vector<128x128xf32>
    %dot_general3A_110 = arith.constant dense<0.000000e+00> : vector<128x128xf32>
    %dot_general3A_111 = tpu.matmul %get3A_109, %get3A_1, %dot_general3A_110 {dimension_numbers = #tpu.dot_dimension_numbers<[1], [0], [0], [1], [0, 0, 1, 1], [], []>, transpose_lhs_hint = false} : vector<128x128xf32>, vector<128x128xf32>, vector<128x128xf32> -> vector<128x128xf32>
    %dot_general3A_112 = arith.constant dense<0.000000e+00> : vector<128x128xf32>
    %dot_general3A_113 = tpu.matmul %dot_general3A_111, %get3A_109, %dot_general3A_112 {dimension_numbers = #tpu.dot_dimension_numbers<[1], [1], [0], [0], [0, 0, 1, 0], [], []>, transpose_lhs_hint = false} : vector<128x128xf32>, vector<128x128xf32>, vector<128x128xf32> -> vector<128x128xf32>
    %swap3A_114 = arith.constant 7 : index
    %swap3A_115 = arith.constant 0 : index
    %swap3A_116 = arith.constant 0 : index
    %swap3A_117 = vector.load %arg3[%swap3A_114, %swap3A_115, %swap3A_116] : memref<16x128x128xf32, #tpu.memory_space<vmem>>, vector<1x128x128xf32>
    %swap3A_118 = vector.shape_cast %swap3A_117 : vector<1x128x128xf32> to vector<128x128xf32>
    %swap3A_119 = vector.shape_cast %dot_general3A_113 : vector<128x128xf32> to vector<1x128x128xf32>
    tpu.vector_store %arg3[%swap3A_114, %swap3A_115, %swap3A_116], %swap3A_119 {strides = array<i32>} : memref<16x128x128xf32, #tpu.memory_space<vmem>>, vector<1x128x128xf32>,
    %get3A_120 = arith.constant 8 : index
    %get3A_121 = arith.constant 0 : index
    %get3A_122 = arith.constant 0 : index
    %get3A_123 = vector.load %arg1[%get3A_120, %get3A_121, %get3A_122] : memref<16x128x128xf32, #tpu.memory_space<vmem>>, vector<1x128x128xf32>
    %get3A_124 = vector.shape_cast %get3A_123 : vector<1x128x128xf32> to vector<128x128xf32>
    %dot_general3A_125 = arith.constant dense<0.000000e+00> : vector<128x128xf32>
    %dot_general3A_126 = tpu.matmul %get3A_124, %get3A_1, %dot_general3A_125 {dimension_numbers = #tpu.dot_dimension_numbers<[1], [0], [0], [1], [0, 0, 1, 1], [], []>, transpose_lhs_hint = false} : vector<128x128xf32>, vector<128x128xf32>, vector<128x128xf32> -> vector<128x128xf32>
    %dot_general3A_127 = arith.constant dense<0.000000e+00> : vector<128x128xf32>
    %dot_general3A_128 = tpu.matmul %dot_general3A_126, %get3A_124, %dot_general3A_127 {dimension_numbers = #tpu.dot_dimension_numbers<[1], [1], [0], [0], [0, 0, 1, 0], [], []>, transpose_lhs_hint = false} : vector<128x128xf32>, vector<128x128xf32>, vector<128x128xf32> -> vector<128x128xf32>
    %swap3A_129 = arith.constant 8 : index
    %swap3A_130 = arith.constant 0 : index
    %swap3A_131 = arith.constant 0 : index
    %swap3A_132 = vector.load %arg3[%swap3A_129, %swap3A_130, %swap3A_131] : memref<16x128x128xf32, #tpu.memory_space<vmem>>, vector<1x128x128xf32>
    %swap3A_133 = vector.shape_cast %swap3A_132 : vector<1x128x128xf32> to vector<128x128xf32>
    %swap3A_134 = vector.shape_cast %dot_general3A_128 : vector<128x128xf32> to vector<1x128x128xf32>
    tpu.vector_store %arg3[%swap3A_129, %swap3A_130, %swap3A_131], %swap3A_134 {strides = array<i32>} : memref<16x128x128xf32, #tpu.memory_space<vmem>>, vector<1x128x128xf32>,
    %get3A_135 = arith.constant 9 : index
    %get3A_136 = arith.constant 0 : index
    %get3A_137 = arith.constant 0 : index
    %get3A_138 = vector.load %arg1[%get3A_135, %get3A_136, %get3A_137] : memref<16x128x128xf32, #tpu.memory_space<vmem>>, vector<1x128x128xf32>
    %get3A_139 = vector.shape_cast %get3A_138 : vector<1x128x128xf32> to vector<128x128xf32>
    %dot_general3A_140 = arith.constant dense<0.000000e+00> : vector<128x128xf32>
    %dot_general3A_141 = tpu.matmul %get3A_139, %get3A_1, %dot_general3A_140 {dimension_numbers = #tpu.dot_dimension_numbers<[1], [0], [0], [1], [0, 0, 1, 1], [], []>, transpose_lhs_hint = false} : vector<128x128xf32>, vector<128x128xf32>, vector<128x128xf32> -> vector<128x128xf32>
    %dot_general3A_142 = arith.constant dense<0.000000e+00> : vector<128x128xf32>
    %dot_general3A_143 = tpu.matmul %dot_general3A_141, %get3A_139, %dot_general3A_142 {dimension_numbers = #tpu.dot_dimension_numbers<[1], [1], [0], [0], [0, 0, 1, 0], [], []>, transpose_lhs_hint = false} : vector<128x128xf32>, vector<128x128xf32>, vector<128x128xf32> -> vector<128x128xf32>
    %swap3A_144 = arith.constant 9 : index
    %swap3A_145 = arith.constant 0 : index
    %swap3A_146 = arith.constant 0 : index
    %swap3A_147 = vector.load %arg3[%swap3A_144, %swap3A_145, %swap3A_146] : memref<16x128x128xf32, #tpu.memory_space<vmem>>, vector<1x128x128xf32>
    %swap3A_148 = vector.shape_cast %swap3A_147 : vector<1x128x128xf32> to vector<128x128xf32>
    %swap3A_149 = vector.shape_cast %dot_general3A_143 : vector<128x128xf32> to vector<1x128x128xf32>
    tpu.vector_store %arg3[%swap3A_144, %swap3A_145, %swap3A_146], %swap3A_149 {strides = array<i32>} : memref<16x128x128xf32, #tpu.memory_space<vmem>>, vector<1x128x128xf32>,
    %get3A_150 = arith.constant 10 : index
    %get3A_151 = arith.constant 0 : index
    %get3A_152 = arith.constant 0 : index
    %get3A_153 = vector.load %arg1[%get3A_150, %get3A_151, %get3A_152] : memref<16x128x128xf32, #tpu.memory_space<vmem>>, vector<1x128x128xf32>
    %get3A_154 = vector.shape_cast %get3A_153 : vector<1x128x128xf32> to vector<128x128xf32>
    %dot_general3A_155 = arith.constant dense<0.000000e+00> : vector<128x128xf32>
    %dot_general3A_156 = tpu.matmul %get3A_154, %get3A_1, %dot_general3A_155 {dimension_numbers = #tpu.dot_dimension_numbers<[1], [0], [0], [1], [0, 0, 1, 1], [], []>, transpose_lhs_hint = false} : vector<128x128xf32>, vector<128x128xf32>, vector<128x128xf32> -> vector<128x128xf32>
    %dot_general3A_157 = arith.constant dense<0.000000e+00> : vector<128x128xf32>
    %dot_general3A_158 = tpu.matmul %dot_general3A_156, %get3A_154, %dot_general3A_157 {dimension_numbers = #tpu.dot_dimension_numbers<[1], [1], [0], [0], [0, 0, 1, 0], [], []>, transpose_lhs_hint = false} : vector<128x128xf32>, vector<128x128xf32>, vector<128x128xf32> -> vector<128x128xf32>
    %swap3A_159 = arith.constant 10 : index
    %swap3A_160 = arith.constant 0 : index
    %swap3A_161 = arith.constant 0 : index
    %swap3A_162 = vector.load %arg3[%swap3A_159, %swap3A_160, %swap3A_161] : memref<16x128x128xf32, #tpu.memory_space<vmem>>, vector<1x128x128xf32>
    %swap3A_163 = vector.shape_cast %swap3A_162 : vector<1x128x128xf32> to vector<128x128xf32>
    %swap3A_164 = vector.shape_cast %dot_general3A_158 : vector<128x128xf32> to vector<1x128x128xf32>
    tpu.vector_store %arg3[%swap3A_159, %swap3A_160, %swap3A_161], %swap3A_164 {strides = array<i32>} : memref<16x128x128xf32, #tpu.memory_space<vmem>>, vector<1x128x128xf32>,
    %get3A_165 = arith.constant 11 : index
    %get3A_166 = arith.constant 0 : index
    %get3A_167 = arith.constant 0 : index
    %get3A_168 = vector.load %arg1[%get3A_165, %get3A_166, %get3A_167] : memref<16x128x128xf32, #tpu.memory_space<vmem>>, vector<1x128x128xf32>
    %get3A_169 = vector.shape_cast %get3A_168 : vector<1x128x128xf32> to vector<128x128xf32>
    %dot_general3A_170 = arith.constant dense<0.000000e+00> : vector<128x128xf32>
    %dot_general3A_171 = tpu.matmul %get3A_169, %get3A_1, %dot_general3A_170 {dimension_numbers = #tpu.dot_dimension_numbers<[1], [0], [0], [1], [0, 0, 1, 1], [], []>, transpose_lhs_hint = false} : vector<128x128xf32>, vector<128x128xf32>, vector<128x128xf32> -> vector<128x128xf32>
    %dot_general3A_172 = arith.constant dense<0.000000e+00> : vector<128x128xf32>
    %dot_general3A_173 = tpu.matmul %dot_general3A_171, %get3A_169, %dot_general3A_172 {dimension_numbers = #tpu.dot_dimension_numbers<[1], [1], [0], [0], [0, 0, 1, 0], [], []>, transpose_lhs_hint = false} : vector<128x128xf32>, vector<128x128xf32>, vector<128x128xf32> -> vector<128x128xf32>
    %swap3A_174 = arith.constant 11 : index
    %swap3A_175 = arith.constant 0 : index
    %swap3A_176 = arith.constant 0 : index
    %swap3A_177 = vector.load %arg3[%swap3A_174, %swap3A_175, %swap3A_176] : memref<16x128x128xf32, #tpu.memory_space<vmem>>, vector<1x128x128xf32>
    %swap3A_178 = vector.shape_cast %swap3A_177 : vector<1x128x128xf32> to vector<128x128xf32>
    %swap3A_179 = vector.shape_cast %dot_general3A_173 : vector<128x128xf32> to vector<1x128x128xf32>
    tpu.vector_store %arg3[%swap3A_174, %swap3A_175, %swap3A_176], %swap3A_179 {strides = array<i32>} : memref<16x128x128xf32, #tpu.memory_space<vmem>>, vector<1x128x128xf32>,
    %get3A_180 = arith.constant 12 : index
    %get3A_181 = arith.constant 0 : index
    %get3A_182 = arith.constant 0 : index
    %get3A_183 = vector.load %arg1[%get3A_180, %get3A_181, %get3A_182] : memref<16x128x128xf32, #tpu.memory_space<vmem>>, vector<1x128x128xf32>
    %get3A_184 = vector.shape_cast %get3A_183 : vector<1x128x128xf32> to vector<128x128xf32>
    %dot_general3A_185 = arith.constant dense<0.000000e+00> : vector<128x128xf32>
    %dot_general3A_186 = tpu.matmul %get3A_184, %get3A_1, %dot_general3A_185 {dimension_numbers = #tpu.dot_dimension_numbers<[1], [0], [0], [1], [0, 0, 1, 1], [], []>, transpose_lhs_hint = false} : vector<128x128xf32>, vector<128x128xf32>, vector<128x128xf32> -> vector<128x128xf32>
    %dot_general3A_187 = arith.constant dense<0.000000e+00> : vector<128x128xf32>
    %dot_general3A_188 = tpu.matmul %dot_general3A_186, %get3A_184, %dot_general3A_187 {dimension_numbers = #tpu.dot_dimension_numbers<[1], [1], [0], [0], [0, 0, 1, 0], [], []>, transpose_lhs_hint = false} : vector<128x128xf32>, vector<128x128xf32>, vector<128x128xf32> -> vector<128x128xf32>
    %swap3A_189 = arith.constant 12 : index
    %swap3A_190 = arith.constant 0 : index
    %swap3A_191 = arith.constant 0 : index
    %swap3A_192 = vector.load %arg3[%swap3A_189, %swap3A_190, %swap3A_191] : memref<16x128x128xf32, #tpu.memory_space<vmem>>, vector<1x128x128xf32>
    %swap3A_193 = vector.shape_cast %swap3A_192 : vector<1x128x128xf32> to vector<128x128xf32>
    %swap3A_194 = vector.shape_cast %dot_general3A_188 : vector<128x128xf32> to vector<1x128x128xf32>
    tpu.vector_store %arg3[%swap3A_189, %swap3A_190, %swap3A_191], %swap3A_194 {strides = array<i32>} : memref<16x128x128xf32, #tpu.memory_space<vmem>>, vector<1x128x128xf32>,
    %get3A_195 = arith.constant 13 : index
    %get3A_196 = arith.constant 0 : index
    %get3A_197 = arith.constant 0 : index
    %get3A_198 = vector.load %arg1[%get3A_195, %get3A_196, %get3A_197] : memref<16x128x128xf32, #tpu.memory_space<vmem>>, vector<1x128x128xf32>
    %get3A_199 = vector.shape_cast %get3A_198 : vector<1x128x128xf32> to vector<128x128xf32>
    %dot_general3A_200 = arith.constant dense<0.000000e+00> : vector<128x128xf32>
    %dot_general3A_201 = tpu.matmul %get3A_199, %get3A_1, %dot_general3A_200 {dimension_numbers = #tpu.dot_dimension_numbers<[1], [0], [0], [1], [0, 0, 1, 1], [], []>, transpose_lhs_hint = false} : vector<128x128xf32>, vector<128x128xf32>, vector<128x128xf32> -> vector<128x128xf32>
    %dot_general3A_202 = arith.constant dense<0.000000e+00> : vector<128x128xf32>
    %dot_general3A_203 = tpu.matmul %dot_general3A_201, %get3A_199, %dot_general3A_202 {dimension_numbers = #tpu.dot_dimension_numbers<[1], [1], [0], [0], [0, 0, 1, 0], [], []>, transpose_lhs_hint = false} : vector<128x128xf32>, vector<128x128xf32>, vector<128x128xf32> -> vector<128x128xf32>
    %swap3A_204 = arith.constant 13 : index
    %swap3A_205 = arith.constant 0 : index
    %swap3A_206 = arith.constant 0 : index
    %swap3A_207 = vector.load %arg3[%swap3A_204, %swap3A_205, %swap3A_206] : memref<16x128x128xf32, #tpu.memory_space<vmem>>, vector<1x128x128xf32>
    %swap3A_208 = vector.shape_cast %swap3A_207 : vector<1x128x128xf32> to vector<128x128xf32>
    %swap3A_209 = vector.shape_cast %dot_general3A_203 : vector<128x128xf32> to vector<1x128x128xf32>
    tpu.vector_store %arg3[%swap3A_204, %swap3A_205, %swap3A_206], %swap3A_209 {strides = array<i32>} : memref<16x128x128xf32, #tpu.memory_space<vmem>>, vector<1x128x128xf32>,
    %get3A_210 = arith.constant 14 : index
    %get3A_211 = arith.constant 0 : index
    %get3A_212 = arith.constant 0 : index
    %get3A_213 = vector.load %arg1[%get3A_210, %get3A_211, %get3A_212] : memref<16x128x128xf32, #tpu.memory_space<vmem>>, vector<1x128x128xf32>
    %get3A_214 = vector.shape_cast %get3A_213 : vector<1x128x128xf32> to vector<128x128xf32>
    %dot_general3A_215 = arith.constant dense<0.000000e+00> : vector<128x128xf32>
    %dot_general3A_216 = tpu.matmul %get3A_214, %get3A_1, %dot_general3A_215 {dimension_numbers = #tpu.dot_dimension_numbers<[1], [0], [0], [1], [0, 0, 1, 1], [], []>, transpose_lhs_hint = false} : vector<128x128xf32>, vector<128x128xf32>, vector<128x128xf32> -> vector<128x128xf32>
    %dot_general3A_217 = arith.constant dense<0.000000e+00> : vector<128x128xf32>
    %dot_general3A_218 = tpu.matmul %dot_general3A_216, %get3A_214, %dot_general3A_217 {dimension_numbers = #tpu.dot_dimension_numbers<[1], [1], [0], [0], [0, 0, 1, 0], [], []>, transpose_lhs_hint = false} : vector<128x128xf32>, vector<128x128xf32>, vector<128x128xf32> -> vector<128x128xf32>
    %swap3A_219 = arith.constant 14 : index
    %swap3A_220 = arith.constant 0 : index
    %swap3A_221 = arith.constant 0 : index
    %swap3A_222 = vector.load %arg3[%swap3A_219, %swap3A_220, %swap3A_221] : memref<16x128x128xf32, #tpu.memory_space<vmem>>, vector<1x128x128xf32>
    %swap3A_223 = vector.shape_cast %swap3A_222 : vector<1x128x128xf32> to vector<128x128xf32>
    %swap3A_224 = vector.shape_cast %dot_general3A_218 : vector<128x128xf32> to vector<1x128x128xf32>
    tpu.vector_store %arg3[%swap3A_219, %swap3A_220, %swap3A_221], %swap3A_224 {strides = array<i32>} : memref<16x128x128xf32, #tpu.memory_space<vmem>>, vector<1x128x128xf32>,
    %get3A_225 = arith.constant 15 : index
    %get3A_226 = arith.constant 0 : index
    %get3A_227 = arith.constant 0 : index
    %get3A_228 = vector.load %arg1[%get3A_225, %get3A_226, %get3A_227] : memref<16x128x128xf32, #tpu.memory_space<vmem>>, vector<1x128x128xf32>
    %get3A_229 = vector.shape_cast %get3A_228 : vector<1x128x128xf32> to vector<128x128xf32>
    %dot_general3A_230 = arith.constant dense<0.000000e+00> : vector<128x128xf32>
    %dot_general3A_231 = tpu.matmul %get3A_229, %get3A_1, %dot_general3A_230 {dimension_numbers = #tpu.dot_dimension_numbers<[1], [0], [0], [1], [0, 0, 1, 1], [], []>, transpose_lhs_hint = false} : vector<128x128xf32>, vector<128x128xf32>, vector<128x128xf32> -> vector<128x128xf32>
    %dot_general3A_232 = arith.constant dense<0.000000e+00> : vector<128x128xf32>
    %dot_general3A_233 = tpu.matmul %dot_general3A_231, %get3A_229, %dot_general3A_232 {dimension_numbers = #tpu.dot_dimension_numbers<[1], [1], [0], [0], [0, 0, 1, 0], [], []>, transpose_lhs_hint = false} : vector<128x128xf32>, vector<128x128xf32>, vector<128x128xf32> -> vector<128x128xf32>
    %swap3A_234 = arith.constant 15 : index
    %swap3A_235 = arith.constant 0 : index
    %swap3A_236 = arith.constant 0 : index
    %swap3A_237 = vector.load %arg3[%swap3A_234, %swap3A_235, %swap3A_236] : memref<16x128x128xf32, #tpu.memory_space<vmem>>, vector<1x128x128xf32>
    %swap3A_238 = vector.shape_cast %swap3A_237 : vector<1x128x128xf32> to vector<128x128xf32>
    %swap3A_239 = vector.shape_cast %dot_general3A_233 : vector<128x128xf32> to vector<1x128x128xf32>
    tpu.vector_store %arg3[%swap3A_234, %swap3A_235, %swap3A_236], %swap3A_239 {strides = array<i32>} : memref<16x128x128xf32, #tpu.memory_space<vmem>>, vector<1x128x128xf32>,
    return
  }
  func.func @transform_0(%arg0: i32) -> (i32, i32, i32) {
    %c0_i32 = arith.constant 0 : i32
    %c0_i32_0 = arith.constant 0 : i32
    %c0_i32_1 = arith.constant 0 : i32
    return %arg0, %c0_i32, %c0_i32_0 : i32, i32, i32
  }
  func.func @transform_1(%arg0: i32) -> (i32, i32) {
    %c0_i32 = arith.constant 0 : i32
    %c0_i32_0 = arith.constant 0 : i32
    %c0_i32_1 = arith.constant 0 : i32
    return %c0_i32, %c0_i32_0 : i32, i32
  }
  func.func @transform_2(%arg0: i32) -> (i32, i32, i32) {
    %c0_i32 = arith.constant 0 : i32
    %c0_i32_0 = arith.constant 0 : i32
    %c0_i32_1 = arith.constant 0 : i32
    return %arg0, %c0_i32, %c0_i32_0 : i32, i32, i32
  }
}

</mosaic_0001>

<sc_bundles>
// kernel: kernel.4.cloned.1.call-start
scs
__scs_entry_jumppad:
0x0: {  	(pc) =	sbr.rel $0x88, $3  }
0x1: {  	(tag) =	ssettag $0x0;
	lr =	simm.s32 $0x1  }
0x2: {  	[smem:$0x3F9D] =	sst lr;
	_ =	strace $0xD0000000  }
0x3: {  	_ = 	snop  }
0x4: {  	_ = 	snop  }
0x5: {  	_ = 	snop  }
0x6: {  	_ = 	snop  }
0x7: {  	_ = 	snop  }
__scs_overlays_trampoline_lowered:
0x8: {  	[smem:$0x3FAC] =	sst s0  }
0x9: {  	[smem:$0x3FAD] =	sst s1  }
0xa: {  	[smem:$0x3FAE] =	sst s2  }
0xb: {  	[smem:$0x3FAF] =	sst s3  }
0xc: {  	[smem:$0x3FB0] =	sst s4  }
0xd: {  	[smem:$0x3FB1] =	sst s5  }
0xe: {  	[smem:$0x3FB2] =	sst s6  }
0xf: {  	[smem:$0x3FB3] =	sst s7  }
0x10: {  	[smem:$0x3FB4] =	sst s8  }
0x11: {  	[smem:$0x3FB5] =	sst s9;
	s0 =	simm.s32 @!p0 $0x0  }
0x12: {  	s1 =	sld [smem:$0x3F9B];
	s0 =	simm.s32 @p0 $0x1  }
0x13: {  	[smem:$0x3FB6] =	sst s0;
	s0 =	simm.s32 @!p1 $0x0  }
0x14: {  	s2 =	sld [smem:$0x3F9A];
	s0 =	simm.s32 @p1 $0x1  }
0x15: {  	[smem:$0x3FB7] =	sst s0;
	s0 =	simm.s32 @!p2 $0x0  }
0x16: {  	s3 =	sld [smem:$0x3FDB];
	s0 =	simm.s32 @p2 $0x1  }
0x17: {  	s4 =	simm.s32 $0x1BF5;
	[smem:$0x3FB9] =	sst s0  }
0x18: {  	s0 =	sld [smem:$0x3F9C];
	_ =	swait.ge [sflag:s4], $0x0  }
0x19: {  	s7 =	sld [smem:$0x3F9D]  }
0x1a: {  	s8 =	sadd.s32 $0xFFFFE003, lr  }
0x1b: {  	s9 =	sadd.s32 $0xFFFFFEF7, lr;
	s5 =	simm.s32 $0xFFFFFFFF;
	p2 =	slt.u32 s8, $0xFFFFF086  }
0x1c: {  	p1 =	slt.u32 s9, $0xF7A;
	s5 =	simm.s32 @!p2 $0x0  }
0x1d: {  	s5 =	simm.s32 @p1 $0x1;
	p0 =	seq.s32 s7, s2  }
0x1e: {  	s7 =	smul.u32 @!p0 $0xF7A, s2;
	p2 =	seq.s32 @!p0 s5, $0x0  }
0x1f: {  	s9 =	smul.u32 $0xF7A, s1;
	s8 =	simm.s32 @!p0 $0x1BF5;
	p2 =	por !p2, p0  }
0x20: {  	[sflag:s8] =	ssyncset.s32 @!p0 $0xFFFFF086;
	s6 =	sadd.s32 @!p0 s3, s7;
	s7 =	simm.s32 @!p0 $0x108  }
0x21: {  	s3 =	sadd.s32 s3, s9;
	s6 =	sadd.s32 @!p0 $0x88, s6;
	s7 =	simm.s32 @p2 $0x1082  }
0x22: {  	[simem:s7], [sflag:s8] =	dma.local @!p0 [hbm:s6], $0xF7A  }
0x23: {  	s9 =	sor.u32 $0xD0000000, s2;
	s6 =	simm.s32 $0x108;
	_ =	swait.ge @!p0 [sflag:s8], $0x0  }
0x24: {  	s3 =	sadd.s32 $0x88, s3;
	s6 =	simm.s32 @!p1 $0x1082;
	[sflag:s4] =	ssyncset.s32 $0xFFFFF086  }
0x25: {  	[simem:s6], [sflag:s4] =	dma.local [hbm:s3], $0xF7A  }
0x26: {  	[smem:$0x3F9D] =	sst s1;
	(tag) =	ssettag s2;
	_ =	strace s9  }
0x27: {  	s1 =	sld [smem:$0x3FAD]  }
0x28: {  	s2 =	sld [smem:$0x3FAE]  }
0x29: {  	s4 =	sld [smem:$0x3FB0]  }
0x2a: {  	p0 =	seq.s32 s5, $0x0;
	s5 =	sld [smem:$0x3FB1]  }
0x2b: {  	s6 =	sld [smem:$0x3FB2]  }
0x2c: {  	s7 =	sld [smem:$0x3FB3]  }
0x2d: {  	s3 =	simm.s32 $0x108;
	s8 =	sld [smem:$0x3FB4]  }
0x2e: {  	s3 =	simm.s32 @!p0 $0x1082;
	s9 =	sld [smem:$0x3FB5]  }
0x2f: {  	lr =	sadd.s32 s0, s3;
	s0 =	sld [smem:$0x3FAC]  }
0x30: {  	s3 =	sld [smem:$0x3FAF]  }
0x31: {  	[smem:$0x3FB8] =	sst s10  }
0x32: {  	s10 =	sld [smem:$0x3FB6];
	_ =	sdelay $0x3  }
0x33: {  	p0 =	seq.s32 s10, $0x1;
	s10 =	sld [smem:$0x3FB8];
	_ =	sdelay $0x3  }
0x34: {  	[smem:$0x3FB8] =	sst s10  }
0x35: {  	s10 =	sld [smem:$0x3FB7];
	_ =	sdelay $0x3  }
0x36: {  	p1 =	seq.s32 s10, $0x1;
	s10 =	sld [smem:$0x3FB8];
	_ =	sdelay $0x3  }
0x37: {  	[smem:$0x3FB8] =	sst s10  }
0x38: {  	s10 =	sld [smem:$0x3FB9]  }
0x39: {  	_ = 	snop;
	(pc) =	sbr.ind lr, $3  }
0x3a: {  	_ = 	snop  }
0x3b: {  	_ = 	snop  }
0x3c: {  	p2 =	seq.s32 s10, $0x1;
	s10 =	sld [smem:$0x3FB8]  }
0x3d: {  	_ =	shalt  }
0x3e: {  	_ =	shalt  }
0x3f: {  	_ =	shalt  }
0x40: {  	_ =	shalt  }
0x41: {  	_ =	shalt  }
0x42: {  	_ =	shalt  }
0x43: {  	_ =	shalt  }
0x44: {  	_ =	shalt  }
0x45: {  	_ =	shalt  }
0x46: {  	_ =	shalt  }
0x47: {  	_ =	shalt  }
0x48: {  	_ =	shalt  }
0x49: {  	_ =	shalt  }
0x4a: {  	_ =	shalt  }
0x4b: {  	_ =	shalt  }
0x4c: {  	_ =	shalt  }
0x4d: {  	_ =	shalt  }
0x4e: {  	_ =	shalt  }
0x4f: {  	_ =	shalt  }
0x50: {  	_ =	shalt  }
0x51: {  	_ =	shalt  }
0x52: {  	_ =	shalt  }
0x53: {  	_ =	shalt  }
0x54: {  	_ =	shalt  }
0x55: {  	_ =	shalt  }
0x56: {  	_ =	shalt  }
0x57: {  	_ =	shalt  }
0x58: {  	_ =	shalt  }
0x59: {  	_ =	shalt  }
0x5a: {  	_ =	shalt  }
0x5b: {  	_ =	shalt  }
0x5c: {  	_ =	shalt  }
0x5d: {  	_ =	shalt  }
0x5e: {  	_ =	shalt  }
0x5f: {  	_ =	shalt  }
0x60: {  	_ =	shalt  }
0x61: {  	_ =	shalt  }
0x62: {  	_ =	shalt  }
0x63: {  	_ =	shalt  }
0x64: {  	_ =	shalt  }
0x65: {  	_ =	shalt  }
0x66: {  	_ =	shalt  }
0x67: {  	_ =	shalt  }
0x68: {  	_ =	shalt  }
0x69: {  	_ =	shalt  }
0x6a: {  	_ =	shalt  }
0x6b: {  	_ =	shalt  }
0x6c: {  	_ =	shalt  }
0x6d: {  	_ =	shalt  }
0x6e: {  	_ =	shalt  }
0x6f: {  	_ =	shalt  }
0x70: {  	_ =	shalt  }
0x71: {  	_ =	shalt  }
0x72: {  	_ =	shalt  }
0x73: {  	_ =	shalt  }
0x74: {  	_ =	shalt  }
0x75: {  	_ =	shalt  }
0x76: {  	_ =	shalt  }
0x77: {  	_ =	shalt  }
0x78: {  	_ =	shalt  }
0x79: {  	_ =	shalt  }
0x7a: {  	_ =	shalt  }
0x7b: {  	_ =	shalt  }
0x7c: {  	_ =	shalt  }
0x7d: {  	_ =	shalt  }
0x7e: {  	_ =	shalt  }
0x7f: {  	_ =	shalt  }
0x80: {  	_ =	shalt  }
0x81: {  	_ =	shalt  }
0x82: {  	_ =	shalt  }
0x83: {  	_ =	shalt  }
0x84: {  	_ =	shalt  }
0x85: {  	_ =	shalt  }
0x86: {  	_ =	shalt  }
0x87: {  	_ =	shalt  }
.Lfunc_end0:
.L_simem_size_0:
called_computation_lowered:
.L_overlay_start_0:
0x88: {  	s2 =	sld [smem:$0x3FD9]  }
0x89: {  	s3 =	sld [smem:$0x3FFE];
	_ =	sdelay $0x1  }
0x8a: {  	s1 =	srdreg.scid  }
0x8b: {  	s0 =	sand.u32 $0x1, s1  }
0x8c: {  	s17 =	sshll.u32 s0, $0xA;
	s2 =	sadd.s32 s3, s2  }
0x8d: {  	s2 =	sadd.s32 s2, s17  }
0x8e: {  	[smem:$0x3FC4] =	sst s2  }
0x8f: {  	_ = 	snop  }
0x90: {  	s2 =	sld [smem:$0x3FC6];
	(tm) =	ssettm $0x1  }
0x91: {  	s18 =	sld [smem:$0x3FFB];
	_ =	sdelay $0x3  }
0x92: {  	_ =	strace s18  }
0x93: {  	s3 =	sld [smem:$0x3FFC];
	_ =	sdelay $0x3  }
0x94: {  	_ =	strace s3  }
0x95: {  	s3 =	sld [smem:$0x3FFD];
	_ =	sdelay $0x3  }
0x96: {  	_ =	strace s3  }
0x97: {  	_ =	strace $0x8FFFFFFF  }
0x98: {  	s19 =	sld [smem:$0x3FDB];
	_ =	sdelay $0x1  }
0x99: {  	s4 =	simm.s32 $_scs_section_size  }
0x9a: {  	s5 =	simm.s32 $_size__tile_overlayer_lowered;
	s6 =	simm.s32 $_tile_overlayer_lowered  }
0x9b: {  	s22 =	simm.s32 $0x1BFF;
	s21 =	sshll.u32 s6, $0x1;
	s3 =	sadd.s32 s4, s19  }
0x9c: {  	s7 =	simm.s32 $0x0;
	s20 =	sshll.u32 s5, $0x1;
	s5 =	sadd.s32 s21, s3  }
0x9d: {  	[timem:s7], [sflag:s22] =	dma.local [hbm:s5], s20  }
0x9e: {  	_ =	swait.ge [sflag:s22], s20  }
0x9f: {  	s4 =	ssub.s32 $0x0, s20;
	[sflag:s22] =	ssyncset.done $0x0  }
0xa0: {  	[sflag:s22] =	ssyncadd.s32 s4;
	_ =	sdelay $0x1  }
0xa1: {  	s23 =	simm.s32 $0x1B8B  }
0xa2: {  	_ =	swait.ge [sflag:s23], $0x1  }
0xa3: {  	[sflag:s23] =	ssyncset.done $0x0  }
0xa4: {  	s25 =	simm.s32 $0x1B8E;
	s24 =	sld [smem:$0x3FFE];
	[sflag:s23] =	ssyncadd.s32 $0xFFFFFFFF  }
0xa5: {  	s26 =	simm.s32 $execute0_lowered;
	[smem:$0x3FD2] =	sst s25  }
0xa6: {  	s5 =	sshll.u32 s26, $0x1;
	_ =	strace $0x80000046;
	[dreg:$0x1] =	wrdreg $0xFFFFFFFF  }
0xa7: {  	s28 =	simm.s32 $_size_execute0_lowered;
	s3 =	sadd.s32 s3, s5;
	[dreg:$0x0] =	wrdreg $0x0  }
0xa8: {  	s5 =	sshll.u32 s28, $0x1;
	[dreg:$0x2] =	wrdreg s3  }
0xa9: {  	[dreg:$0x3] =	wrdreg s5  }
0xaa: {  	[dreg:$0x4] =	wrdreg $0xC0  }
0xab: {  	_ =	task [dreg:s7], $0x5FFFF  }
0xac: {  	[dreg:$0x1] =	wrdreg $0xFFFFFFFF  }
0xad: {  	[dreg:$0x0] =	wrdreg $0x60  }
0xae: {  	[dreg:$0x2] =	wrdreg s24  }
0xaf: {  	[dreg:$0x3] =	wrdreg s2  }
0xb0: {  	[dreg:$0x4] =	wrdreg $0x9  }
0xb1: {  	_ =	task.clear_ibuf [dreg:s7], $0x5FFFF;
	_ =	strace $0x90000046  }
0xb2: {  	s29 =	simm.s32 $0x9;
	_ =	strace $0x80000048  }
0xb3: {  	_ =	swait.ge [sflag:s29], $0x1  }
0xb4: {  	[sflag:s29] =	ssyncadd.s32 $0xFFFFFFFF  }
0xb5: {  	_ =	strace $0x90000048  }
0xb6: {  	_ =	sfence  }
0xb7: {  	s30 =	sld [smem:$0x0];
	_ =	sdelay $0x2  }
0xb8: {  	s31 =	sshll.u32 s1, $0xD;
	s1 =	sshrl.u32 s1, $0x2  }
0xb9: {  	s3 =	sand.u32 $0x4000, s31;
	s1 =	sadd.s32 s1, s30  }
0xba: {  	s0 =	sor.u32 s3, s0;
	s1 =	sshll.u32 s1, $0x11  }
0xbb: {  	s0 =	sor.u32 s1, s0  }
0xbc: {  	s0 =	sadd.s32 $0x8F2B, s0  }
0xbd: {  	[sflag:s0] =	ssyncadd.remote.s32 $0x1  }
0xbe: {  	_ =	sfence.sel $0xFFFF  }
0xbf: {  	[dreg:$0x0] =	wrdreg $0xFFFFFFFF;
	(pc) =	sbr.abs _section_cstart, $3  }
0xc0: {  	[dreg:$0x1] =	wrdreg $0xFFFFFFFF  }
0xc1: {  	_ =	task.clear_ibuf [dreg:s7], $0x2FFFF;
	_ =	strace $0x9FFFFFFF  }
0xc2: {  	(tm) =	ssettm $0x7FFFFFFF  }
0xc3: {  	_ =	shalt  }
tec
execute0_lowered:
.L_overlay_start_1:
0x0: {  	(tag) =	ssettag $0x1  }
0x1: {  	s1 =	srdreg.scid;
	s4 =	rddreg [dreg:$0x0]  }
0x2: {  	s0 =	stileid.u32;
	s5 =	rddreg [dreg:$0x1]  }
0x3: {  	s12 =	simm.s32 $0x1;
	s13 =	simm.s32 $0x9800;
	s14 =	simm.s32 $0x0  }
0x4: {  	s3 =	sand.u32 $0x1, s1;
	s29 =	sshll.u32 s0, $0x2;
	s7 =	sshrl.u32 s0, $0x1  }
0x5: {  	s1 =	rddreg [dreg:$0x2];
	s2 =	sshll.u32 s3, $0x1;
	s9 =	sshll.u32 s7, $0xE  }
0x6: {  	s10 =	sshll.u32 s7, $0xA;
	s3 =	ssub.s32 $0x2, s3;
	s7 =	sshll.u32 s7, $0xD  }
0x7: {  	s6 =	sor.u32 s2, s29;
	s2 =	simm.s32 $0x0;
	s11 =	sshrl.u32 s3, $0x1  }
0x8: {  	s8 =	sshll.u32 s6, $0x7;
	[smem:$0x7FF] =	sst s2;
	s6 =	sshll.u32 s6, $0xB  }
0x9: {  	s31 =	ssub.s32 s3, s11;
	s11 =	simm.s32 $0x9000;
	s8 =	sand.u32 $0x300, s8  }
0xa: {  	_ =	strace $0x80000047;
	s6 =	sadd.s32 s6, s4;
	s9 =	sor.u32 s9, s8  }
0xb: {  	s10 =	sor.u32 s10, s8;
	s7 =	sor.u32 s7, s8;
	s3 =	sadd.s32 $0x4600, s6  }
0xc: {  	s8 =	simm.s32 $0x100;
	s9 =	sshrl.u32 s9, $0x3;
	s10 =	sshrl.u32 s10, $0x3  }
0xd: {  	s7 =	sshrl.u32 s7, $0x3;
	s9 =	sadd.s32 s9, s4;
	s30 =	sadd.s32 s10, s4  }
0xe: {  	v0 =	vlaneseq.u32;
	s5 =	sadd.s32 s5, s7;
	s7 =	smax.u32 s31, $0x1;
	s10 =	simm.s32 $0x8000  }
0xf: {  	v1 =	vor.u32 $0x10, v0;
	v2 =	vor.u32 $0x80, v0;
	s4 =	sadd.s32 $0x600, s9;
	s6 =	sadd.s32 $0x24600, s30;
	s9 =	simm.s32 $0x400  }
.LBB2_1:
0x10: {  	[tilespmem:s2], [sflag:$0x1] =	stream.linear.gather [hbm4b:s3+s2], $0x8000, $0x38;
	[tilespmem:$0x9900] =	vst v63  }
0x11: {  	_ = 	snop  }
0x12: {  	[tilespmem:s10], [sflag:$0x1] =	stream.strided.gather [hbm4b:s4+s8], $0x1000, s9, s8, $0x38;
	[tilespmem:$0x9900] =	vst v63  }
0x13: {  	_ = 	snop  }
0x14: {  	[tilespmem:s11], [sflag:$0x1] =	stream.strided.gather [hbm4b:s5+s8], $0x800, s9, s8, $0x38;
	[tilespmem:$0x9900] =	vst v63  }
0x15: {  	v3 =	vmov s2;
	_ =	swait.ge [sflag:s12], $0x8000  }
0x16: {  	v4 =	vor.u32 s2, v0;
	v5 =	vshll.u32 v3, $0x2;
	[sflag:s12] =	ssyncset.done $0x0  }
0x17: {  	v6 =	vshll.u32 v4, $0x1;
	v5 =	vand.u32 $0xF00, v5;
	[sflag:s12] =	ssyncadd.s32 $0xFFFF8000  }
0x18: {  	v7 =	vor.u32 s2, v1;
	v6 =	vand.u32 $0x5E, v6;
	v8 =	vor.u32 $0x1, v5;
	_ =	swait.ge [sflag:s12], $0x1000  }
0x19: {  	v10 =	vshll.u32 v7, $0x1;
	v9 =	vor.u32 v6, v8;
	[sflag:s12] =	ssyncset.done $0x0  }
0x1a: {  	v10 =	vand.u32 $0x7E, v10;
	v6 =	vor.u32 v5, v6;
	[sflag:s12] =	ssyncadd.s32 $0xFFFFF000  }
0x1b: {  	v3 =	vshll.u32 v3, $0x1;
	v8 =	vor.u32 v10, v8;
	_ =	swait.ge [sflag:s12], $0x800  }
0x1c: {  	s15 =	simm.s32 $0x20;
	v4 =	vand.u32 $0x6F, v4;
	v5 =	vor.u32 v5, v10;
	v10 =	vand.u32 $0x700, v3;
	[sflag:s12] =	ssyncset.done $0x0  }
0x1d: {  	s31 =	simm.s32 $0x40;
	v7 =	vand.u32 $0x7F, v7;
	v12 =	vor.u32 s15, v1;
	v4 =	vor.u32 v4, v10;
	[sflag:s12] =	ssyncadd.s32 $0xFFFFF800  }
0x1e: {  	v25 =	vor.u32 s31, v1;
	v18 =	vshll.u32 v12, $0x1;
	v12 =	vand.u32 $0x7F, v12;
	v9 =	vld.idx.msk [tilespmem:v9+s10+$0x0], $0xffff  }
0x1f: {  	v7 =	vor.u32 v7, v10;
	v10 =	vor.u32 s15, v0;
	v11 =	vld.idx.msk [tilespmem:v6+s10+$0x0], $0xffff;
	v6 =	vmov s15  }
0x20: {  	v3 =	vimm.f32 $0.0e+00;
	v14 =	vshll.u32 v10, $0x1;
	v8 =	vld.idx.msk [tilespmem:v8+s10+$0x0], $0xffff;
	v13 =	vshll.u32 v6, $0x2  }
0x21: {  	v14 =	vand.u32 $0x5E, v14;
	v5 =	vld.idx.msk [tilespmem:v5+s10+$0x0], $0xffff;
	v6 =	vshll.u32 v6, $0x1;
	v13 =	vand.u32 $0xF00, v13  }
0x22: {  	v16 =	vand.u32 $0x700, v6;
	v6 =	vld.idx.msk [tilespmem:v4+s11+$0x0], $0xffff;
	v4 =	vand.u32 $0x7E, v18;
	v17 =	vor.u32 v13, v14  }
0x23: {  	v15 =	vor.u32 $0x1, v13;
	v12 =	vor.u32 v12, v16;
	v20 =	vor.u32 v13, v4  }
0x24: {  	v7 =	vld.idx.msk [tilespmem:v7+s11+$0x0], $0xffff;
	v14 =	vor.u32 v14, v15;
	v15 =	vor.u32 v4, v15;
	v18 =	vand.u32 $0x7F, v9  }
0x25: {  	v11 =	vshll.u32 v11, $0x7;
	v19 =	vand.u32 $0xFFFFFF80, v8;
	v9 =	vand.u32 $0xFFFFFF80, v9  }
0x26: {  	v8 =	vand.u32 $0x7F, v8;
	v5 =	vshll.u32 v5, $0x7;
	v4 =	vadd.s32 v11, v9  }
0x27: {  	v5 =	vadd.s32 v5, v19;
	v9 =	vand.u32 $0x6F, v10;
	v11 =	vor.u32 v18, v4;
	v13 =	vld.idx.msk [tilespmem:v17+s10+$0x0], $0xffff  }
0x28: {  	v21 =	vor.u32 v8, v5;
	v4 =	vadd.f32 v6, v3;
	v9 =	vor.u32 v9, v16;
	v8 =	vld.idx.msk [tilespmem:v12+s11+$0x0], $0xffff  }
0x29: {  	v5 =	vadd.f32 v7, v3;
	v12 =	vmov s31;
	v10 =	vld.idx.msk [tilespmem:v14+s10+$0x0], $0xffff;
	v14 =	vor.u32 s31, v0  }
0x2a: {  	v15 =	vld.idx.msk [tilespmem:v15+s10+$0x0], $0xffff;
	v16 =	vshll.u32 v12, $0x2;
	v17 =	vshll.u32 v12, $0x1;
	v12 =	vshll.u32 v14, $0x1  }
0x2b: {  	v18 =	vld.idx.msk [tilespmem:v20+s10+$0x0], $0xffff;
	v19 =	vand.u32 $0xF00, v16;
	v14 =	vand.u32 $0x6F, v14;
	v17 =	vand.u32 $0x700, v17  }
0x2c: {  	v23 =	vand.u32 $0x5E, v12;
	v22 =	vor.u32 $0x1, v19;
	v12 =	vld.idx.msk [tilespmem:v11+s2+$0x0], $0xffff;
	v11 =	vshll.u32 v25, $0x1  }
0x2d: {  	v16 =	vld.idx.msk [tilespmem:v21+s2+$0x0], $0xffff;
	v20 =	vor.u32 v19, v23;
	v23 =	vor.u32 v23, v22;
	v25 =	vand.u32 $0x7F, v25  }
0x2e: {  	s15 =	simm.s32 $0x60;
	v24 =	vand.u32 $0x7E, v11;
	v11 =	vld.idx.msk [tilespmem:v9+s11+$0x0], $0xffff;
	v9 =	vimm.f32 $0.0e+00;
	v21 =	vand.u32 $0x7F, v10  }
.LBB2_2:
0x2f: {  	p0 =	sne.s32 s15, $0x3E0;
	v25 =	vor.u32 v25, v17;
	v13 =	vshll.u32 v13, $0x7;
	v26 =	vand.u32 $0xFFFFFF80, v15;
	s16 =	smov.u32 s15;
	s15 =	sadd.s32 $0x20, s15  }
0x30: {  	v22 =	vor.u32 v24, v22;
	v10 =	vand.u32 $0xFFFFFF80, v10;
	v15 =	vand.u32 $0x7F, v15  }
0x31: {  	v19 =	vor.u32 v19, v24;
	v18 =	vshll.u32 v18, $0x7;
	v13 =	vadd.s32 v13, v10  }
0x32: {  	v18 =	vadd.s32 v18, v26;
	v21 =	vor.u32 v21, v13;
	v10 =	vld.idx.msk [tilespmem:v23+s10+$0x0], $0xffff;
	v23 =	vmul.f32 v7, v16  }
0x33: {  	v16 =	vor.u32 v15, v18;
	v4 =	vadd.f32 v11, v4;
	v18 =	vmul.f32 v6, v12;
	v13 =	vld.idx.msk [tilespmem:v20+s10+$0x0], $0xffff  }
0x34: {  	v24 =	vor.u32 v14, v17;
	v5 =	vadd.f32 v8, v5;
	v26 =	vld.idx.msk [tilespmem:v25+s11+$0x0], $0xffff;
	v3 =	vadd.f32 v23, v3  }
0x35: {  	v12 =	vmov s16;
	v7 =	vmovc v8;
	v6 =	vmovc v11;
	v25 =	vor.u32 s16, v1;
	v9 =	vadd.f32 v18, v9;
	v15 =	vld.idx.msk [tilespmem:v22+s10+$0x0], $0xffff  }
.Ltmp0:
0x36: {  	v8 =	vor.u32 s16, v0;
	v11 =	vshll.u32 v12, $0x2;
	v17 =	vshll.u32 v12, $0x1;
	v18 =	vld.idx.msk [tilespmem:v19+s10+$0x0], $0xffff;
	(pc) =	sbr.rel @p0 .LBB2_2-.Ltmp0, $4  }
0x37: {  	v20 =	vshll.u32 v8, $0x1;
	v14 =	vand.u32 $0x6F, v8;
	v19 =	vand.u32 $0xF00, v11;
	v12 =	vld.idx.msk [tilespmem:v21+s2+$0x0], $0xffff  }
0x38: {  	v28 =	vand.u32 $0x5E, v20;
	v17 =	vand.u32 $0x700, v17;
	v22 =	vor.u32 $0x1, v19;
	v16 =	vld.idx.msk [tilespmem:v16+s2+$0x0], $0xffff  }
0x39: {  	v27 =	vshll.u32 v25, $0x1;
	v20 =	vor.u32 v19, v28;
	v23 =	vor.u32 v28, v22;
	v11 =	vld.idx.msk [tilespmem:v24+s11+$0x0], $0xffff  }
0x3a: {  	v25 =	vand.u32 $0x7F, v25;
	v21 =	vand.u32 $0x7F, v10;
	v24 =	vand.u32 $0x7E, v27;
	v8 =	vmovc v26  }
0x3b: {  	_ = 	snop  }
0x3c: {  	v22 =	vor.u32 v24, v22  }
0x3d: {  	v19 =	vor.u32 v19, v24;
	_ =	sdelay $0x1  }
0x3e: {  	v23 =	vld.idx.msk [tilespmem:v23+s10+$0x0], $0xffff  }
0x3f: {  	v20 =	vld.idx.msk [tilespmem:v20+s10+$0x0], $0xffff  }
0x40: {  	v22 =	vld.idx.msk [tilespmem:v22+s10+$0x0], $0xffff  }
0x41: {  	v24 =	vor.u32 v25, v17;
	v13 =	vshll.u32 v13, $0x7;
	v25 =	vand.u32 $0xFFFFFF80, v15;
	v19 =	vld.idx.msk [tilespmem:v19+s10+$0x0], $0xffff  }
0x42: {  	v10 =	vand.u32 $0xFFFFFF80, v10;
	v18 =	vshll.u32 v18, $0x7;
	v15 =	vand.u32 $0x7F, v15  }
0x43: {  	v14 =	vor.u32 v14, v17;
	v10 =	vadd.s32 v13, v10;
	v13 =	vadd.s32 v18, v25  }
0x44: {  	v10 =	vor.u32 v21, v10;
	v13 =	vor.u32 v15, v13  }
0x45: {  	v15 =	vand.u32 $0x7F, v23;
	v17 =	vshll.u32 v20, $0x7;
	v18 =	vand.u32 $0xFFFFFF80, v23  }
0x46: {  	v17 =	vadd.s32 v17, v18;
	v20 =	vand.u32 $0xFFFFFF80, v22;
	v18 =	vshll.u32 v19, $0x7  }
0x47: {  	v15 =	vor.u32 v15, v17;
	v19 =	vand.u32 $0x7F, v22;
	v17 =	vadd.s32 v18, v20  }
0x48: {  	v14 =	vld.idx.msk [tilespmem:v14+s11+$0x0], $0xffff;
	v17 =	vor.u32 v19, v17  }
0x49: {  	v10 =	vld.idx.msk [tilespmem:v10+s2+$0x0], $0xffff  }
0x4a: {  	v13 =	vld.idx.msk [tilespmem:v13+s2+$0x0], $0xffff  }
0x4b: {  	v18 =	vld.idx.msk [tilespmem:v24+s11+$0x0], $0xffff  }
0x4c: {  	v15 =	vld.idx.msk [tilespmem:v15+s2+$0x0], $0xffff  }
0x4d: {  	v7 =	vmul.f32 v7, v16;
	v16 =	vld.idx.msk [tilespmem:v17+s2+$0x0], $0xffff  }
0x4e: {  	v6 =	vmul.f32 v6, v12  }
0x4f: {  	v3 =	vadd.f32 v7, v3;
	v7 =	vmul.f32 v8, v13  }
0x50: {  	v6 =	vadd.f32 v6, v9;
	v9 =	vmul.f32 v11, v10  }
0x51: {  	v3 =	vadd.f32 v7, v3  }
0x52: {  	v6 =	vadd.f32 v9, v6;
	v9 =	vmul.f32 v14, v15;
	v7 =	vmul.f32 v18, v16  }
0x53: {  	v5 =	vadd.f32 v8, v5;
	v4 =	vadd.f32 v11, v4  }
0x54: {  	v6 =	vadd.f32 v9, v6;
	v3 =	vadd.f32 v7, v3  }
0x55: {  	v4 =	vadd.f32 v14, v4;
	v5 =	vadd.f32 v18, v5  }
0x56: {  	v3 =	vadd.f32 v3, v6  }
0x57: {  	v4 =	vadd.f32 v5, v4  }
0x58: {  	(xrf2) =	vadd.scan.msk.f32 $0xffff, v3  }
0x59: {  	(xrf2) =	vadd.scan.msk.f32 $0xffff, v4;
	_ =	sdelay $0x8  }
0x5a: {  	v3, _, _ =	vpop (xrf2)  }
0x5b: {  	v4, _, _ =	vpop (xrf2)  }
0x5c: {  	(v2sf) =	vpush v4, $0xF;
	_ =	sdelay $0xe  }
0x5d: {  	s15 =	spop (v2sf)  }
0x5e: {  	s15 =	smax.f32 s15, $9.999999930e-09  }
0x5f: {  	v4 =	vmov s15  }
0x60: {  	(erf) = vrcp.f32 v4;
	_ =	sdelay $0x3  }
0x61: {  	s29 =	simm.s32 $0x0  }
0x62: {  	v5 =	vor.u32 s29, v0;
	v4 =	vmov s29  }
0x63: {  	v6 =	vshll.u32 v5, $0x1;
	v7 =	vshll.u32 v4, $0x2  }
0x64: {  	v9 =	vor.u32 s29, v1;
	v6 =	vand.u32 $0x5E, v6;
	v8 =	vor.u32 $0x80, v7  }
0x65: {  	v3 =	vbroadcast v3, $0xF;
	v7 =	vor.u32 $0x81, v7;
	v10 =	vor.u32 v8, v6  }
0x66: {  	v12 =	vshll.u32 v9, $0x1;
	v6 =	vor.u32 v6, v7;
	v11 =	vpop (erf)  }
0x67: {  	v3 =	vmul.f32 v11, v3;
	v11 =	vand.u32 $0x7E, v12  }
0x68: {  	v7 =	vor.u32 v11, v7  }
0x69: {  	v8 =	vor.u32 v8, v11;
	[tilespmem:v0+s13+$0x0] =	vst.idx.msk $0xffff, v3  }
0x6a: {  	s30 =	simm.s32 $0x20;
	v9 =	vand.u32 $0x7F, v9;
	v3 =	vshll.u32 v4, $0x1;
	v10 =	vld.idx.msk [tilespmem:v10+s10+$0x0], $0xffff  }
0x6b: {  	v12 =	vor.u32 s30, v1;
	v4 =	vand.u32 $0x6F, v5;
	v3 =	vand.u32 $0x700, v3;
	v5 =	vld.idx.msk [tilespmem:v6+s10+$0x0], $0xffff  }
0x6c: {  	v11 =	vor.u32 s30, v0;
	v17 =	vshll.u32 v12, $0x1;
	v6 =	vor.u32 $0x80, v3  }
0x6d: {  	v4 =	vor.u32 v4, v6;
	v6 =	vor.u32 v9, v6;
	v9 =	vmov s30;
	v7 =	vld.idx.msk [tilespmem:v7+s10+$0x0], $0xffff  }
0x6e: {  	v13 =	vshll.u32 v11, $0x1;
	v17 =	vand.u32 $0x7E, v17;
	v8 =	vld.idx.msk [tilespmem:v8+s10+$0x0], $0xffff;
	v14 =	vshll.u32 v9, $0x2  }
0x6f: {  	v13 =	vand.u32 $0x5E, v13;
	v3 =	vimm.f32 $0.0e+00;
	v15 =	vor.u32 $0x80, v14  }
0x70: {  	v14 =	vor.u32 $0x81, v14;
	v10 =	vshll.u32 v10, $0x7;
	v18 =	vand.u32 $0xFFFFFF80, v5  }
0x71: {  	v16 =	vor.u32 v15, v13;
	v5 =	vand.u32 $0x7F, v5;
	v10 =	vadd.s32 v18, v10  }
0x72: {  	v13 =	vor.u32 v13, v14;
	v5 =	vor.u32 v5, v10;
	v10 =	vor.u32 v15, v17  }
0x73: {  	v17 =	vor.u32 v17, v14;
	v15 =	vand.u32 $0xFFFFFF80, v7;
	v8 =	vshll.u32 v8, $0x7  }
0x74: {  	v18 =	vand.u32 $0x7F, v7;
	v7 =	vld.idx.msk [tilespmem:v4+s11+$0x0], $0xffff;
	v19 =	vadd.s32 $0x4000, v5;
	v4 =	vadd.s32 v15, v8  }
0x75: {  	s31 =	simm.s32 $0x40;
	v6 =	vld.idx.msk [tilespmem:v6+s11+$0x0], $0xffff;
	v8 =	vshll.u32 v9, $0x1;
	v9 =	vand.u32 $0x6F, v11;
	v11 =	vand.u32 $0x7F, v12  }
0x76: {  	v15 =	vmov s31;
	v4 =	vor.u32 v18, v4;
	v5 =	vand.u32 $0x700, v8;
	v8 =	vld.idx.msk [tilespmem:v16+s10+$0x0], $0xffff  }
0x77: {  	v18 =	vld.idx.msk [tilespmem:v13+s10+$0x0], $0xffff;
	v12 =	vshll.u32 v15, $0x2;
	v24 =	vadd.s32 $0x4000, v4;
	v5 =	vor.u32 $0x80, v5  }
0x78: {  	v14 =	vor.u32 s31, v0;
	v20 =	vor.u32 $0x80, v12;
	v13 =	vor.u32 v9, v5;
	v16 =	vld.idx.msk [tilespmem:v17+s10+$0x0], $0xffff  }
0x79: {  	v21 =	vor.u32 $0x81, v12;
	v9 =	vor.u32 v11, v5;
	v11 =	vshll.u32 v14, $0x1;
	v17 =	vld.idx.msk [tilespmem:v10+s10+$0x0], $0xffff  }
0x7a: {  	v4 =	vadd.f32 v6, v3;
	v10 =	vor.u32 s31, v1;
	v22 =	vand.u32 $0x5E, v11;
	v11 =	vld.idx.msk [tilespmem:v19+s2+$0x0], $0xffff  }
0x7b: {  	v5 =	vadd.f32 v7, v3;
	v19 =	vor.u32 v20, v22;
	v23 =	vshll.u32 v8, $0x7  }
0x7c: {  	s15 =	simm.s32 $0x60;
	v25 =	vand.u32 $0xFFFFFF80, v18;
	v8 =	vimm.f32 $0.0e+00;
	v12 =	vld.idx.msk [tilespmem:v24+s2+$0x0], $0xffff;
	v24 =	vshll.u32 v10, $0x1  }
.LBB2_4:
0x7d: {  	p0 =	sne.s32 s15, $0x3E0;
	v18 =	vand.u32 $0x7F, v18;
	v23 =	vadd.s32 v25, v23;
	v25 =	vand.u32 $0x7F, v16;
	v13 =	vld.idx.msk [tilespmem:v13+s11+$0x0], $0xffff;
	s16 =	smov.u32 s15;
	s15 =	sadd.s32 $0x20, s15  }
0x7e: {  	v22 =	vor.u32 v22, v21;
	v24 =	vand.u32 $0x7E, v24;
	v18 =	vor.u32 v18, v23;
	v9 =	vld.idx.msk [tilespmem:v9+s11+$0x0], $0xffff  }
0x7f: {  	v20 =	vor.u32 v20, v24;
	v21 =	vor.u32 v24, v21;
	v7 =	vmul.f32 v7, v11  }
0x80: {  	v16 =	vand.u32 $0xFFFFFF80, v16;
	v17 =	vshll.u32 v17, $0x7;
	v11 =	vadd.s32 $0x4000, v18  }
0x81: {  	v16 =	vadd.s32 v16, v17;
	v3 =	vadd.f32 v7, v3;
	v23 =	vmul.f32 v6, v12;
	v19 =	vld.idx.msk [tilespmem:v19+s10+$0x0], $0xffff  }
0x82: {  	v17 =	vshll.u32 v15, $0x1;
	v12 =	vand.u32 $0x6F, v14;
	v14 =	vor.u32 v25, v16  }
0x83: {  	v15 =	vand.u32 $0x700, v17;
	v24 =	vadd.s32 $0x4000, v14;
	v8 =	vadd.f32 v23, v8;
	v7 =	vmovc v13;
	v18 =	vld.idx.msk [tilespmem:v22+s10+$0x0], $0xffff  }
0x84: {  	v10 =	vand.u32 $0x7F, v10;
	v14 =	vor.u32 $0x80, v15;
	v4 =	vadd.f32 v9, v4;
	v6 =	vmovc v9;
	v16 =	vld.idx.msk [tilespmem:v21+s10+$0x0], $0xffff  }
.Ltmp1:
0x85: {  	v13 =	vor.u32 v12, v14;
	v9 =	vor.u32 v10, v14;
	v5 =	vadd.f32 v7, v5;
	v17 =	vld.idx.msk [tilespmem:v20+s10+$0x0], $0xffff;
	(pc) =	sbr.rel @p0 .LBB2_4-.Ltmp1, $4  }
0x86: {  	v15 =	vmov s16;
	v14 =	vor.u32 s16, v0;
	v10 =	vor.u32 s16, v1;
	v11 =	vld.idx.msk [tilespmem:v11+s2+$0x0], $0xffff  }
0x87: {  	v12 =	vshll.u32 v14, $0x1;
	v21 =	vshll.u32 v15, $0x2;
	v23 =	vshll.u32 v19, $0x7  }
0x88: {  	v22 =	vand.u32 $0x5E, v12;
	v20 =	vor.u32 $0x80, v21;
	v21 =	vor.u32 $0x81, v21;
	v12 =	vld.idx.msk [tilespmem:v24+s2+$0x0], $0xffff  }
0x89: {  	v19 =	vor.u32 v20, v22;
	v24 =	vshll.u32 v10, $0x1;
	v25 =	vand.u32 $0xFFFFFF80, v18  }
0x8a: {  	v22 =	vor.u32 v22, v21;
	v24 =	vand.u32 $0x7E, v24  }
0x8b: {  	v51 =	vor.u32 v24, v21  }
0x8c: {  	v20 =	vor.u32 v20, v24;
	_ =	sdelay $0x1  }
0x8d: {  	v19 =	vld.idx.msk [tilespmem:v19+s10+$0x0], $0xffff  }
0x8e: {  	v18 =	vand.u32 $0x7F, v18;
	v23 =	vadd.s32 v25, v23;
	v22 =	vld.idx.msk [tilespmem:v22+s10+$0x0], $0xffff  }
0x8f: {  	v52 =	vand.u32 $0x7F, v16;
	v53 =	vand.u32 $0xFFFFFF80, v16;
	v17 =	vshll.u32 v17, $0x7;
	v21 =	vld.idx.msk [tilespmem:v51+s10+$0x0], $0xffff  }
0x90: {  	v15 =	vshll.u32 v15, $0x1;
	v14 =	vand.u32 $0x6F, v14;
	v10 =	vand.u32 $0x7F, v10;
	v20 =	vld.idx.msk [tilespmem:v20+s10+$0x0], $0xffff  }
0x91: {  	v18 =	vor.u32 v18, v23;
	v16 =	vadd.s32 v53, v17;
	v15 =	vand.u32 $0x700, v15  }
0x92: {  	v18 =	vadd.s32 $0x4000, v18;
	v16 =	vor.u32 v52, v16;
	v15 =	vor.u32 $0x80, v15  }
0x93: {  	v16 =	vadd.s32 $0x4000, v16;
	v14 =	vor.u32 v14, v15;
	v10 =	vor.u32 v10, v15  }
0x94: {  	v54 =	vshll.u32 v19, $0x7;
	v55 =	vand.u32 $0xFFFFFF80, v22;
	v56 =	vand.u32 $0x7F, v22  }
0x95: {  	v15 =	vadd.s32 v55, v54;
	v57 =	vand.u32 $0xFFFFFF80, v21;
	v20 =	vshll.u32 v20, $0x7  }
0x96: {  	v13 =	vld.idx.msk [tilespmem:v13+s11+$0x0], $0xffff;
	v21 =	vand.u32 $0x7F, v21;
	v15 =	vor.u32 v56, v15;
	v17 =	vadd.s32 v57, v20  }
0x97: {  	v9 =	vld.idx.msk [tilespmem:v9+s11+$0x0], $0xffff;
	v15 =	vadd.s32 $0x4000, v15;
	v17 =	vor.u32 v21, v17  }
0x98: {  	v18 =	vld.idx.msk [tilespmem:v18+s2+$0x0], $0xffff;
	v17 =	vadd.s32 $0x4000, v17  }
0x99: {  	v16 =	vld.idx.msk [tilespmem:v16+s2+$0x0], $0xffff  }
0x9a: {  	v14 =	vld.idx.msk [tilespmem:v14+s11+$0x0], $0xffff  }
0x9b: {  	v10 =	vld.idx.msk [tilespmem:v10+s11+$0x0], $0xffff  }
0x9c: {  	v15 =	vld.idx.msk [tilespmem:v15+s2+$0x0], $0xffff  }
0x9d: {  	v7 =	vmul.f32 v7, v11;
	v58 =	vld.idx.msk [tilespmem:v17+s2+$0x0], $0xffff  }
0x9e: {  	v6 =	vmul.f32 v6, v12  }
0x9f: {  	v3 =	vadd.f32 v7, v3;
	v59 =	vmul.f32 v13, v18  }
0xa0: {  	v6 =	vadd.f32 v6, v8;
	v60 =	vmul.f32 v9, v16  }
0xa1: {  	v3 =	vadd.f32 v59, v3  }
0xa2: {  	v6 =	vadd.f32 v60, v6;
	v61 =	vmul.f32 v14, v15;
	v62 =	vmul.f32 v10, v58  }
0xa3: {  	v4 =	vadd.f32 v9, v4;
	v5 =	vadd.f32 v13, v5  }
0xa4: {  	v3 =	vadd.f32 v61, v3;
	v6 =	vadd.f32 v62, v6  }
0xa5: {  	v4 =	vadd.f32 v10, v4;
	v5 =	vadd.f32 v14, v5  }
0xa6: {  	v3 =	vadd.f32 v6, v3  }
0xa7: {  	v4 =	vadd.f32 v4, v5  }
0xa8: {  	(xrf2) =	vadd.scan.msk.f32 $0xffff, v3  }
0xa9: {  	(xrf2) =	vadd.scan.msk.f32 $0xffff, v4;
	_ =	sdelay $0x8  }
0xaa: {  	v3, _, _ =	vpop (xrf2)  }
0xab: {  	v4, _, _ =	vpop (xrf2)  }
0xac: {  	(v2sf) =	vpush v4, $0xF;
	_ =	sdelay $0xe  }
0xad: {  	s15 =	spop (v2sf)  }
0xae: {  	s15 =	smax.f32 s15, $9.999999930e-09  }
0xaf: {  	v63 =	vmov s15  }
0xb0: {  	(erf) = vrcp.f32 v63;
	_ =	sdelay $0x7  }
0xb1: {  	v3 =	vbroadcast v3, $0xF  }
0xb2: {  	v4 =	vpop (erf)  }
0xb3: {  	s14 =	sadd.s32 $0x1, s14;
	v3 =	vmul.f32 v4, v3  }
0xb4: {  	p0 =	sne.s32 s14, s7  }
.Ltmp2:
0xb5: {  	[tilespmem:v2+s13+$0x0] =	vst.idx.msk $0xffff, v3;
	(pc) =	sbr.rel @p0 .LBB2_1-.Ltmp2, $4  }
0xb6: {  	[hbm4b:s6+s2] =	stream.linear.scatter [tilespmem:s13], [sflag:$0x1], $0x100, $0x38;
	[tilespmem:$0x9900] =	vst v63  }
0xb7: {  	_ =	swait.ge [sflag:s12], $0x100  }
0xb8: {  	[sflag:s12] =	ssyncset.done $0x0  }
0xb9: {  	[sflag:s12] =	ssyncadd.s32 $0xFFFFFF00  }
0xba: {  	_ =	sfence.sel $0x180000  }
0xbb: {  	[bflag:$0x0] =	sbarrier.arrive $0xFFFF  }
0xbc: {  	p0 =	sne.s32 s0, $0x0;
	_ =	strace $0x90000047  }
0xbd: {  	s0 =	sadd.s32 @!p0 $0x100000, s1;
	[bflag:$0x2] =	sbarrier.arrive $0xFFFF  }
0xbe: {  	[sflag:s0] =	ssyncadd.tile.s32 @!p0 $0x1;
	_ =	shalt  }
.Lfunc_end2:
_tile_overlayer_lowered:
.L_overlay_start_2:
0xbf: {  	(tag) =	ssettag $0x2  }
0xc0: {  	s0 =	rddreg [dreg:$0x0];
	s2 =	stileid.u32  }
0xc1: {  	s1 =	rddreg [dreg:$0x1];
	p0 =	sne.s32 s2, $0x0  }
0xc2: {  	s3 =	rddreg [dreg:$0x2];
	[bflag:$0x3] =	sbarrier.arrive $0xFFFF;
	s2 =	simm.s32 @!p0 $0x1C02  }
0xc3: {  	[timem:s3], [sflag:s2] =	dma.local @!p0 [hbm:s0], s1  }
0xc4: {  	s0 =	simm.s32 @!p0 $0x2  }
0xc5: {  	_ =	swait.ge @!p0 [sflag:s0], s1  }
0xc6: {  	s1 =	ssub.s32 @!p0 $0x0, s1;
	[sflag:s0] =	ssyncset.done @!p0 $0x0  }
0xc7: {  	[sflag:s0] =	ssyncadd.s32 @!p0 s1  }
0xc8: {  	[bflag:$0x3] =	sbarrier.arrive $0xFFFF  }
0xc9: {  	_ =	shalt  }

</sc_bundles>
